<compile_context>
chip_gen: v7x
topology: tpu7x:2x2x1
jax: 0.10.2.dev20260603
libtpu: 0.0.44.dev20260713+nightly
codegen_flags: <defaults>
</compile_context>

<pallas_src>
import functools

import jax
import jax.numpy as jnp
from jax import lax
from jax.experimental import pallas as pl
from jax.experimental.pallas import tpu as pltpu
from jax.experimental.pallas import tpu_sc as plsc

NC = 2
NS = 16
NW = NC * NS
CK = 128
FB = 50


def _pad_up(v: int, m: int) -> int:
    return (v + m - 1) // m * m


def kernel(x, edge_index, weight):
    n, d_in = x.shape
    d_out = weight.shape[1]
    e = edge_index.shape[1]
    dh = d_out // NW
    f32 = jnp.float32

    npad = _pad_up(n, NS * 40)
    nchunks = e // CK
    assert e % CK == 0 and nchunks % FB == 0 and FB % 2 == 0
    eptile = e // NW

    row = edge_index[0]
    col = edge_index[1]

    mesh = plsc.VectorSubcoreMesh(
        core_axis_name="c", subcore_axis_name="s", num_cores=NC, num_subcores=NS
    )
    cparams = pltpu.CompilerParams(
        use_tc_tiling_on_sc=False, needs_layout_passes=False
    )

    @functools.partial(
        pl.kernel,
        out_type=jax.ShapeDtypeStruct((NW * npad, 8), f32),
        mesh=mesh,
        compiler_params=cparams,
        scratch_types=[
            pltpu.VMEM((npad, 8), f32),
            pltpu.VMEM((eptile,), jnp.int32),
        ],
    )
    def deg_kernel(row_h, zero_h, dp_h, deg_v, ridx):
        cc = lax.axis_index("c")
        ss = lax.axis_index("s")
        w = cc * NS + ss
        pltpu.sync_copy(zero_h, deg_v)
        ebase = pl.multiple_of(w * eptile, 8)
        pltpu.sync_copy(row_h.at[pl.ds(ebase, eptile)], ridx)
        iota = lax.iota(jnp.int32, 16)
        IOT8 = iota // 8
        IOT8X = 1 - IOT8
        LANE8 = iota % 8
        FH = iota < 8
        SH = jnp.logical_not(FH)
        ones = jnp.full((16,), 1.0, f32)

        def body(i, carry):
            pair = plsc.load_gather(ridx, [IOT8 + 2 * i])
            plsc.addupdate_scatter(deg_v, [pair, LANE8], ones, mask=FH)
            plsc.addupdate_scatter(deg_v, [pair, LANE8], ones, mask=SH)
            return carry

        lax.fori_loop(0, eptile // 2, body, 0)
        obase = pl.multiple_of(w * npad, 8)
        pltpu.sync_copy(deg_v, dp_h.at[pl.ds(obase, npad)])

    zeros8 = jnp.zeros((npad, 8), f32)
    dp = deg_kernel(row, zeros8).reshape(NW, npad, 8)

    rblk = 400
    assert n % rblk == 0
    grid = n // rblk

    def mm_body(x_ref, w_ref, dp_ref, y_ref):
        xw = jnp.dot(x_ref[...], w_ref[...], preferred_element_type=f32)
        deg = jnp.sum(dp_ref[...], axis=0)[:, 0:1] + 1.0
        dis = lax.rsqrt(deg)
        y = xw * dis
        for wI in range(NW):
            y_ref[wI] = y[:, wI * dh:(wI + 1) * dh]

    y3 = pl.pallas_call(
        mm_body,
        grid=(grid,),
        in_specs=[
            pl.BlockSpec((rblk, d_in), lambda i: (i, 0)),
            pl.BlockSpec((d_in, d_out), lambda i: (0, 0)),
            pl.BlockSpec((NW, rblk, 8), lambda i: (0, i, 0)),
        ],
        out_specs=pl.BlockSpec((NW, rblk, dh), lambda i: (0, i, 0)),
        out_shape=jax.ShapeDtypeStruct((NW, npad, dh), f32),
    )(x, weight, dp)
    y_flat = y3.reshape(NW * npad, dh)

    @functools.partial(
        pl.kernel,
        out_type=jax.ShapeDtypeStruct((NW * npad, dh), f32),
        mesh=mesh,
        compiler_params=cparams,
        scratch_types=[
            pltpu.VMEM((npad, dh), f32),
            pltpu.VMEM((FB * CK,), jnp.int32),
            pltpu.VMEM((FB * CK,), jnp.int32),
            pltpu.VMEM((CK, dh), f32),
            pltpu.VMEM((CK, dh), f32),
            pltpu.SemaphoreType.DMA,
            pltpu.SemaphoreType.DMA,
        ],
    )
    def agg_kernel(y_h, row_h, col_h, out_h, acc, rblk_v, cblk_v,
                   rows0, rows1, sem0, sem1):
        cc = lax.axis_index("c")
        ss = lax.axis_index("s")
        w = cc * NS + ss
        ybase = pl.multiple_of(w * npad, 8)
        pltpu.sync_copy(y_h.at[pl.ds(ybase, npad)], acc)
        iota = lax.iota(jnp.int32, 16)
        IOT8 = iota // 8
        LANE8 = iota % 8
        FH = iota < 8
        SH = jnp.logical_not(FH)
        ytab = y_h.at[pl.ds(ybase, npad)]

        def gather(c, rows, sem):
            return pltpu.make_async_copy(
                ytab.at[cblk_v.at[pl.ds(c * CK, CK)]], rows, sem
            )

        def compute(c, rows):
            def step(i, carry):
                pair = plsc.load_gather(rblk_v, [IOT8 + (c * CK + 2 * i)])
                vals = plsc.load_gather(rows, [IOT8 + 2 * i, LANE8])
                plsc.addupdate_scatter(acc, [pair, LANE8], vals, mask=FH)
                plsc.addupdate_scatter(acc, [pair, LANE8], vals, mask=SH)
                return carry

            lax.fori_loop(0, CK // 2, step, 0)

        def outer(b, carry):
            eoff = pl.multiple_of(b * (FB * CK), 8)
            pltpu.sync_copy(row_h.at[pl.ds(eoff, FB * CK)], rblk_v)
            pltpu.sync_copy(col_h.at[pl.ds(eoff, FB * CK)], cblk_v)
            gather(0, rows0, sem0).start()

            def pairs(p, carry2):
                c0 = 2 * p
                pltpu.make_async_copy(
                    ytab.at[cblk_v.at[pl.ds(c0 * CK, CK)]], rows0, sem0
                ).wait()
                gather(c0 + 1, rows1, sem1).start()
                compute(c0, rows0)
                pltpu.make_async_copy(
                    ytab.at[cblk_v.at[pl.ds((c0 + 1) * CK, CK)]], rows1, sem1
                ).wait()

                @pl.when(p < FB // 2 - 1)
                def _():
                    gather(c0 + 2, rows0, sem0).start()

                compute(c0 + 1, rows1)
                return carry2

            lax.fori_loop(0, FB // 2, pairs, 0)
            return carry

        lax.fori_loop(0, nchunks // FB, outer, 0)
        pltpu.sync_copy(acc, out_h.at[pl.ds(ybase, npad)])

    acc3 = agg_kernel(y_flat, row, col).reshape(NW, npad, dh)

    def out_body(a_ref, dp_ref, o_ref):
        deg = jnp.sum(dp_ref[...], axis=0)[:, 0:1] + 1.0
        dis = lax.rsqrt(deg)
        for wI in range(NW):
            o_ref[:, wI * dh:(wI + 1) * dh] = a_ref[wI] * dis

    out = pl.pallas_call(
        out_body,
        grid=(grid,),
        in_specs=[
            pl.BlockSpec((NW, rblk, dh), lambda i: (0, i, 0)),
            pl.BlockSpec((NW, rblk, 8), lambda i: (0, i, 0)),
        ],
        out_specs=pl.BlockSpec((rblk, d_out), lambda i: (i, 0)),
        out_shape=jax.ShapeDtypeStruct((n, d_out), f32),
    )(acc3, dp)
    return out

# --- scband reference (transcript-rebuilt; emitter-appended) ---
"""Pipeline reference for scband-custom-gcnconv-30365418783237 (READ-ONLY COPY).

The authoritative reference and input builder live on the scoring server;
editing this copy changes nothing except your own understanding.
"""

import jax, jax.numpy as jnp
import numpy as np

N = 10000
E = 160000
D_IN = 256
D_OUT = 256

def setup_inputs(seed: int = 0) -> dict:
    key = jax.random.key(seed)
    k1, k2, k3 = jax.random.split(key, 3)
    x = jax.random.normal(k1, (N, D_IN), dtype=jnp.float32)
    edge_index = jax.random.randint(k2, (2, E), 0, N, dtype=jnp.int32)
    # xavier_uniform init for weight [in_channels, out_channels]
    limit = float(np.sqrt(6.0 / (D_IN + D_OUT)))
    weight = jax.random.uniform(k3, (D_IN, D_OUT), dtype=jnp.float32, minval=-limit, maxval=limit)
    return {"x": x, "edge_index": edge_index, "weight": weight}

def reference(x, edge_index, weight):
    n = x.shape[0]
    # add self loops
    loops = jnp.arange(n, dtype=edge_index.dtype)
    ei = jnp.concatenate([edge_index, jnp.stack([loops, loops], axis=0)], axis=1)
    row, col = ei[0], ei[1]
    # degree of row nodes (scatter-add of ones)
    deg = jnp.zeros((n,), dtype=x.dtype).at[row].add(jnp.ones_like(row, dtype=x.dtype))
    deg_inv_sqrt = jnp.where(deg > 0, deg ** -0.5, 0.0)
    norm = deg_inv_sqrt[row] * deg_inv_sqrt[col]
    xw = x @ weight
    # gather source features, scale by norm, scatter-add into destination rows
    out = jnp.zeros_like(xw).at[row].add(xw[col] * norm[:, None])
    return out

if __name__ == "__main__":
    import jax
    _d = setup_inputs()
    print(jax.jit(kernel)(*tuple(_d.values())))

</pallas_src>

<mosaic_0001>
#map = affine_map<(d0, d1) -> (0)>
#map1 = affine_map<(d0, d1) -> (0, 0)>
module attributes {stable_mosaic.version = 14 : i64} {
  func.func @deg_kernel(%arg0: i32, %arg1: i32, %arg2: memref<160000xi32, #tpu.memory_space<hbm>>, %arg3: memref<10240x8xf32, #tpu.memory_space<hbm>>, %arg4: memref<327680x8xf32, #tpu.memory_space<hbm>>, %arg5: memref<10240x8xf32, #tpu.memory_space<vmem>>, %arg6: memref<5000xi32, #tpu.memory_space<vmem>>) attributes {dimension_semantics = [#tpu.dimension_semantics<core_parallel>, #tpu.dimension_semantics<subcore_parallel>], iteration_bounds = array<i64: 2, 16>, scalar_prefetch = 0 : i64, scratch_operands = 2 : i64, tpu.core_type = #tpu.core_type<sc_vector_subcore>, window_params = [{transform_indices = #map}, {transform_indices = #map1}, {transform_indices = #map1}]} {
    %mul3A = arith.constant 16 : i32
    %mul3A_0 = arith.muli %arg0, %mul3A : i32
    %add3A = arith.addi %mul3A_0, %arg1 : i32
    "tpu.region"() ({
      %run_scoped3A = tpu.sem_alloc : memref<!tpu.dma_semaphore, #tpu.memory_space<semaphore_mem>>
      tpu.enqueue_dma source(%arg3 : memref<10240x8xf32, #tpu.memory_space<hbm>>) target(%arg5 : memref<10240x8xf32, #tpu.memory_space<vmem>>) target_semaphore(%run_scoped3A : memref<!tpu.dma_semaphore, #tpu.memory_space<semaphore_mem>>)
      tpu.wait_dma2 semaphore(%run_scoped3A : memref<!tpu.dma_semaphore, #tpu.memory_space<semaphore_mem>>) src(%arg3 : memref<10240x8xf32, #tpu.memory_space<hbm>>) dst(%arg5 : memref<10240x8xf32, #tpu.memory_space<vmem>>)
      tpu.yield
    }) : () -> ()
    %mul3A_1 = arith.constant 5000 : i32
    %mul3A_2 = arith.muli %add3A, %mul3A_1 : i32
    %multiple_of3A = tpu.assume_multiple %mul3A_2, 8 : i32
    "tpu.region"() ({
      %run_scoped3A = tpu.sem_alloc : memref<!tpu.dma_semaphore, #tpu.memory_space<semaphore_mem>>
      %dma_start3A = tpu.memref_slice %arg2[%multiple_of3A] : memref<160000xi32, #tpu.memory_space<hbm>> -> memref<5000xi32, #tpu.memory_space<hbm>>
      %dma_start3A_62 = tpu.memref_slice %arg2[%multiple_of3A] : memref<160000xi32, #tpu.memory_space<hbm>> -> memref<5000xi32, #tpu.memory_space<hbm>>
      tpu.enqueue_dma source(%dma_start3A_62 : memref<5000xi32, #tpu.memory_space<hbm>>) target(%arg6 : memref<5000xi32, #tpu.memory_space<vmem>>) target_semaphore(%run_scoped3A : memref<!tpu.dma_semaphore, #tpu.memory_space<semaphore_mem>>)
      %dma_wait3A = tpu.memref_slice %arg2[%multiple_of3A] : memref<160000xi32, #tpu.memory_space<hbm>> -> memref<5000xi32, #tpu.memory_space<hbm>>
      %dma_wait3A_63 = tpu.memref_slice %arg2[%multiple_of3A] : memref<160000xi32, #tpu.memory_space<hbm>> -> memref<5000xi32, #tpu.memory_space<hbm>>
      tpu.wait_dma2 semaphore(%run_scoped3A : memref<!tpu.dma_semaphore, #tpu.memory_space<semaphore_mem>>) src(%dma_wait3A_63 : memref<5000xi32, #tpu.memory_space<hbm>>) dst(%arg6 : memref<5000xi32, #tpu.memory_space<vmem>>)
      tpu.yield
    }) : () -> ()
    %iota3A = tpu.iota {dimensions = array<i32: 0>} : vector<16xi32>
    %jit3A = arith.constant 8 : i32
    %div3A = vector.broadcast %jit3A : i32 to vector<16xi32>
    %div3A_3 = arith.divsi %iota3A, %div3A : vector<16xi32>
    %sign3A = arith.constant 0 : i32
    %sign3A_4 = vector.broadcast %sign3A : i32 to vector<16xi32>
    %sign3A_5 = arith.cmpi sgt, %iota3A, %sign3A_4 : vector<16xi32>
    %sign3A_6 = arith.extui %sign3A_5 : vector<16xi1> to vector<16xi32>
    %sign3A_7 = arith.constant 0 : i32
    %sign3A_8 = vector.broadcast %sign3A_7 : i32 to vector<16xi32>
    %sign3A_9 = arith.cmpi slt, %iota3A, %sign3A_8 : vector<16xi32>
    %sign3A_10 = arith.extui %sign3A_9 : vector<16xi1> to vector<16xi32>
    %sign3A_11 = arith.subi %sign3A_6, %sign3A_10 : vector<16xi32>
    %sign3A_12 = arith.constant 0 : i32
    %sign3A_13 = arith.cmpi sgt, %jit3A, %sign3A_12 : i32
    %sign3A_14 = arith.extui %sign3A_13 : i1 to i32
    %sign3A_15 = arith.constant 0 : i32
    %sign3A_16 = arith.cmpi slt, %jit3A, %sign3A_15 : i32
    %sign3A_17 = arith.extui %sign3A_16 : i1 to i32
    %sign3A_18 = arith.subi %sign3A_14, %sign3A_17 : i32
    %ne3A = vector.broadcast %sign3A_18 : i32 to vector<16xi32>
    %ne3A_19 = arith.cmpi ne, %sign3A_11, %ne3A : vector<16xi32>
    %rem3A = vector.broadcast %jit3A : i32 to vector<16xi32>
    %rem3A_20 = arith.remsi %iota3A, %rem3A : vector<16xi32>
    %ne3A_21 = arith.constant 0 : i32
    %ne3A_22 = vector.broadcast %ne3A_21 : i32 to vector<16xi32>
    %ne3A_23 = arith.cmpi ne, %rem3A_20, %ne3A_22 : vector<16xi32>
    %and3A = arith.andi %ne3A_19, %ne3A_23 : vector<16xi1>
    %sub3A = arith.constant 1 : i32
    %sub3A_24 = vector.broadcast %sub3A : i32 to vector<16xi32>
    %sub3A_25 = arith.subi %div3A_3, %sub3A_24 : vector<16xi32>
    %select_n3A = arith.select %and3A, %sub3A_25, %div3A_3 : vector<16xi1>, vector<16xi32>
    %sub3A_26 = arith.constant 1 : i32
    %sub3A_27 = vector.broadcast %sub3A_26 : i32 to vector<16xi32>
    %sub3A_28 = arith.subi %sub3A_27, %select_n3A : vector<16xi32>
    %jit3A_29 = arith.constant 8 : i32
    %eq3A = arith.constant 0 : i32
    %eq3A_30 = arith.cmpi eq, %jit3A_29, %eq3A : i32
    %jit3A_31 = arith.constant 1 : i32
    %select_n3A_32 = arith.select %eq3A_30, %jit3A_31, %jit3A_29 : i32
    %rem3A_33 = vector.broadcast %select_n3A_32 : i32 to vector<16xi32>
    %rem3A_34 = arith.remsi %iota3A, %rem3A_33 : vector<16xi32>
    %ne3A_35 = arith.constant 0 : i32
    %ne3A_36 = vector.broadcast %ne3A_35 : i32 to vector<16xi32>
    %ne3A_37 = arith.cmpi ne, %rem3A_34, %ne3A_36 : vector<16xi32>
    %lt3A = arith.constant 0 : i32
    %lt3A_38 = vector.broadcast %lt3A : i32 to vector<16xi32>
    %lt3A_39 = arith.cmpi slt, %rem3A_34, %lt3A_38 : vector<16xi32>
    %lt3A_40 = arith.constant 0 : i32
    %lt3A_41 = arith.cmpi slt, %select_n3A_32, %lt3A_40 : i32
    %ne3A_42 = vector.broadcast %lt3A_41 : i1 to vector<16xi1>
    %ne3A_43 = vector.broadcast %ne3A_42 : vector<16xi1> to vector<16xi1>
    %ne3A_44 = arith.xori %lt3A_39, %ne3A_43 : vector<16xi1>
    %and3A_45 = arith.andi %ne3A_44, %ne3A_37 : vector<16xi1>
    %add3A_46 = vector.broadcast %select_n3A_32 : i32 to vector<16xi32>
    %add3A_47 = arith.addi %rem3A_34, %add3A_46 : vector<16xi32>
    %select_n3A_48 = arith.select %and3A_45, %add3A_47, %rem3A_34 : vector<16xi1>, vector<16xi32>
    %lt3A_49 = arith.constant 8 : i32
    %lt3A_50 = vector.broadcast %lt3A_49 : i32 to vector<16xi32>
    %lt3A_51 = arith.cmpi slt, %iota3A, %lt3A_50 : vector<16xi32>
    %not3A = arith.constant dense<true> : vector<16xi1>
    %not3A_52 = arith.xori %lt3A_51, %not3A : vector<16xi1>
    %broadcast_in_dim3A = arith.constant 1.000000e+00 : f32
    %broadcast_in_dim3A_53 = vector.broadcast %broadcast_in_dim3A : f32 to vector<16xf32>
    %scan3A = arith.constant 0 : i32
    %scan3A_54 = arith.constant 0 : i32
    %scan3A_55 = arith.constant 2500 : i32
    %scan3A_56 = arith.addi %scan3A_54, %scan3A_55 : i32
    %scan3A_57 = arith.constant 1 : i32
    scf.for %scan3A_62 = %scan3A_54 to %scan3A_56 step %scan3A_57  : i32 {
      %mul3A_63 = arith.constant 2 : i32
      %mul3A_64 = arith.muli %mul3A_63, %scan3A_62 : i32
      %add3A_65 = vector.broadcast %mul3A_64 : i32 to vector<16xi32>
      %add3A_66 = arith.addi %select_n3A, %add3A_65 : vector<16xi32>
      %gather3A = tpu.vector_load_idx %arg6[%add3A_66] : memref<5000xi32, #tpu.memory_space<vmem>>[vector<16xi32>], vector<16xi32>,
      tpu.vector_store_idx %arg5[%gather3A, %select_n3A_48], %broadcast_in_dim3A_53 masked %lt3A_51 {add = true} : memref<10240x8xf32, #tpu.memory_space<vmem>>[vector<16xi32>, vector<16xi32>], vector<16xf32>, vector<16xi1>
      tpu.vector_store_idx %arg5[%gather3A, %select_n3A_48], %broadcast_in_dim3A_53 masked %not3A_52 {add = true} : memref<10240x8xf32, #tpu.memory_space<vmem>>[vector<16xi32>, vector<16xi32>], vector<16xf32>, vector<16xi1>
    }
    %scan3A_58 = arith.constant 2500 : i32
    %mul3A_59 = arith.constant 10240 : i32
    %mul3A_60 = arith.muli %add3A, %mul3A_59 : i32
    %multiple_of3A_61 = tpu.assume_multiple %mul3A_60, 8 : i32
    "tpu.region"() ({
      %run_scoped3A = tpu.sem_alloc : memref<!tpu.dma_semaphore, #tpu.memory_space<semaphore_mem>>
      %dma_start3A = arith.constant 0 : i32
      %dma_start3A_62 = tpu.memref_slice %arg4[%multiple_of3A_61, %dma_start3A] : memref<327680x8xf32, #tpu.memory_space<hbm>> -> memref<10240x8xf32, #tpu.memory_space<hbm>>
      %dma_start3A_63 = arith.constant 0 : i32
      %dma_start3A_64 = tpu.memref_slice %arg4[%multiple_of3A_61, %dma_start3A_63] : memref<327680x8xf32, #tpu.memory_space<hbm>> -> memref<10240x8xf32, #tpu.memory_space<hbm>>
      tpu.enqueue_dma source(%arg5 : memref<10240x8xf32, #tpu.memory_space<vmem>>) target(%dma_start3A_64 : memref<10240x8xf32, #tpu.memory_space<hbm>>) target_semaphore(%run_scoped3A : memref<!tpu.dma_semaphore, #tpu.memory_space<semaphore_mem>>)
      %dma_wait3A = arith.constant 0 : i32
      %dma_wait3A_65 = tpu.memref_slice %arg4[%multiple_of3A_61, %dma_wait3A] : memref<327680x8xf32, #tpu.memory_space<hbm>> -> memref<10240x8xf32, #tpu.memory_space<hbm>>
      %dma_wait3A_66 = arith.constant 0 : i32
      %dma_wait3A_67 = tpu.memref_slice %arg4[%multiple_of3A_61, %dma_wait3A_66] : memref<327680x8xf32, #tpu.memory_space<hbm>> -> memref<10240x8xf32, #tpu.memory_space<hbm>>
      tpu.wait_dma2 semaphore(%run_scoped3A : memref<!tpu.dma_semaphore, #tpu.memory_space<semaphore_mem>>) src(%arg5 : memref<10240x8xf32, #tpu.memory_space<vmem>>) dst(%dma_wait3A_67 : memref<10240x8xf32, #tpu.memory_space<hbm>>)
      tpu.yield
    }) : () -> ()
    return
  }
}

#map = affine_map<(d0, d1) -> (0, 0)>
#map1 = affine_map<(d0, d1) -> (0)>
module attributes {stable_mosaic.version = 14 : i64} {
  func.func @agg_kernel(%arg0: i32, %arg1: i32, %arg2: memref<327680x8xf32, #tpu.memory_space<hbm>>, %arg3: memref<160000xi32, #tpu.memory_space<hbm>>, %arg4: memref<160000xi32, #tpu.memory_space<hbm>>, %arg5: memref<327680x8xf32, #tpu.memory_space<hbm>>, %arg6: memref<10240x8xf32, #tpu.memory_space<vmem>>, %arg7: memref<6400xi32, #tpu.memory_space<vmem>>, %arg8: memref<6400xi32, #tpu.memory_space<vmem>>, %arg9: memref<128x8xf32, #tpu.memory_space<vmem>>, %arg10: memref<128x8xf32, #tpu.memory_space<vmem>>, %arg11: memref<!tpu.dma_semaphore, #tpu.memory_space<semaphore_mem>>, %arg12: memref<!tpu.dma_semaphore, #tpu.memory_space<semaphore_mem>>) attributes {dimension_semantics = [#tpu.dimension_semantics<core_parallel>, #tpu.dimension_semantics<subcore_parallel>], iteration_bounds = array<i64: 2, 16>, scalar_prefetch = 0 : i64, scratch_operands = 7 : i64, tpu.core_type = #tpu.core_type<sc_vector_subcore>, window_params = [{transform_indices = #map}, {transform_indices = #map1}, {transform_indices = #map1}, {transform_indices = #map}]} {
    %mul3A = arith.constant 16 : i32
    %mul3A_0 = arith.muli %arg0, %mul3A : i32
    %add3A = arith.addi %mul3A_0, %arg1 : i32
    %mul3A_1 = arith.constant 10240 : i32
    %mul3A_2 = arith.muli %add3A, %mul3A_1 : i32
    %multiple_of3A = tpu.assume_multiple %mul3A_2, 8 : i32
    "tpu.region"() ({
      %run_scoped3A = tpu.sem_alloc : memref<!tpu.dma_semaphore, #tpu.memory_space<semaphore_mem>>
      %dma_start3A = arith.constant 0 : i32
      %dma_start3A_55 = tpu.memref_slice %arg2[%multiple_of3A, %dma_start3A] : memref<327680x8xf32, #tpu.memory_space<hbm>> -> memref<10240x8xf32, #tpu.memory_space<hbm>>
      %dma_start3A_56 = arith.constant 0 : i32
      %dma_start3A_57 = tpu.memref_slice %arg2[%multiple_of3A, %dma_start3A_56] : memref<327680x8xf32, #tpu.memory_space<hbm>> -> memref<10240x8xf32, #tpu.memory_space<hbm>>
      tpu.enqueue_dma source(%dma_start3A_57 : memref<10240x8xf32, #tpu.memory_space<hbm>>) target(%arg6 : memref<10240x8xf32, #tpu.memory_space<vmem>>) target_semaphore(%run_scoped3A : memref<!tpu.dma_semaphore, #tpu.memory_space<semaphore_mem>>)
      %dma_wait3A = arith.constant 0 : i32
      %dma_wait3A_58 = tpu.memref_slice %arg2[%multiple_of3A, %dma_wait3A] : memref<327680x8xf32, #tpu.memory_space<hbm>> -> memref<10240x8xf32, #tpu.memory_space<hbm>>
      %dma_wait3A_59 = arith.constant 0 : i32
      %dma_wait3A_60 = tpu.memref_slice %arg2[%multiple_of3A, %dma_wait3A_59] : memref<327680x8xf32, #tpu.memory_space<hbm>> -> memref<10240x8xf32, #tpu.memory_space<hbm>>
      tpu.wait_dma2 semaphore(%run_scoped3A : memref<!tpu.dma_semaphore, #tpu.memory_space<semaphore_mem>>) src(%dma_wait3A_60 : memref<10240x8xf32, #tpu.memory_space<hbm>>) dst(%arg6 : memref<10240x8xf32, #tpu.memory_space<vmem>>)
      tpu.yield
    }) : () -> ()
    %iota3A = tpu.iota {dimensions = array<i32: 0>} : vector<16xi32>
    %jit3A = arith.constant 8 : i32
    %div3A = vector.broadcast %jit3A : i32 to vector<16xi32>
    %div3A_3 = arith.divsi %iota3A, %div3A : vector<16xi32>
    %sign3A = arith.constant 0 : i32
    %sign3A_4 = vector.broadcast %sign3A : i32 to vector<16xi32>
    %sign3A_5 = arith.cmpi sgt, %iota3A, %sign3A_4 : vector<16xi32>
    %sign3A_6 = arith.extui %sign3A_5 : vector<16xi1> to vector<16xi32>
    %sign3A_7 = arith.constant 0 : i32
    %sign3A_8 = vector.broadcast %sign3A_7 : i32 to vector<16xi32>
    %sign3A_9 = arith.cmpi slt, %iota3A, %sign3A_8 : vector<16xi32>
    %sign3A_10 = arith.extui %sign3A_9 : vector<16xi1> to vector<16xi32>
    %sign3A_11 = arith.subi %sign3A_6, %sign3A_10 : vector<16xi32>
    %sign3A_12 = arith.constant 0 : i32
    %sign3A_13 = arith.cmpi sgt, %jit3A, %sign3A_12 : i32
    %sign3A_14 = arith.extui %sign3A_13 : i1 to i32
    %sign3A_15 = arith.constant 0 : i32
    %sign3A_16 = arith.cmpi slt, %jit3A, %sign3A_15 : i32
    %sign3A_17 = arith.extui %sign3A_16 : i1 to i32
    %sign3A_18 = arith.subi %sign3A_14, %sign3A_17 : i32
    %ne3A = vector.broadcast %sign3A_18 : i32 to vector<16xi32>
    %ne3A_19 = arith.cmpi ne, %sign3A_11, %ne3A : vector<16xi32>
    %rem3A = vector.broadcast %jit3A : i32 to vector<16xi32>
    %rem3A_20 = arith.remsi %iota3A, %rem3A : vector<16xi32>
    %ne3A_21 = arith.constant 0 : i32
    %ne3A_22 = vector.broadcast %ne3A_21 : i32 to vector<16xi32>
    %ne3A_23 = arith.cmpi ne, %rem3A_20, %ne3A_22 : vector<16xi32>
    %and3A = arith.andi %ne3A_19, %ne3A_23 : vector<16xi1>
    %sub3A = arith.constant 1 : i32
    %sub3A_24 = vector.broadcast %sub3A : i32 to vector<16xi32>
    %sub3A_25 = arith.subi %div3A_3, %sub3A_24 : vector<16xi32>
    %select_n3A = arith.select %and3A, %sub3A_25, %div3A_3 : vector<16xi1>, vector<16xi32>
    %jit3A_26 = arith.constant 8 : i32
    %eq3A = arith.constant 0 : i32
    %eq3A_27 = arith.cmpi eq, %jit3A_26, %eq3A : i32
    %jit3A_28 = arith.constant 1 : i32
    %select_n3A_29 = arith.select %eq3A_27, %jit3A_28, %jit3A_26 : i32
    %rem3A_30 = vector.broadcast %select_n3A_29 : i32 to vector<16xi32>
    %rem3A_31 = arith.remsi %iota3A, %rem3A_30 : vector<16xi32>
    %ne3A_32 = arith.constant 0 : i32
    %ne3A_33 = vector.broadcast %ne3A_32 : i32 to vector<16xi32>
    %ne3A_34 = arith.cmpi ne, %rem3A_31, %ne3A_33 : vector<16xi32>
    %lt3A = arith.constant 0 : i32
    %lt3A_35 = vector.broadcast %lt3A : i32 to vector<16xi32>
    %lt3A_36 = arith.cmpi slt, %rem3A_31, %lt3A_35 : vector<16xi32>
    %lt3A_37 = arith.constant 0 : i32
    %lt3A_38 = arith.cmpi slt, %select_n3A_29, %lt3A_37 : i32
    %ne3A_39 = vector.broadcast %lt3A_38 : i1 to vector<16xi1>
    %ne3A_40 = vector.broadcast %ne3A_39 : vector<16xi1> to vector<16xi1>
    %ne3A_41 = arith.xori %lt3A_36, %ne3A_40 : vector<16xi1>
    %and3A_42 = arith.andi %ne3A_41, %ne3A_34 : vector<16xi1>
    %add3A_43 = vector.broadcast %select_n3A_29 : i32 to vector<16xi32>
    %add3A_44 = arith.addi %rem3A_31, %add3A_43 : vector<16xi32>
    %select_n3A_45 = arith.select %and3A_42, %add3A_44, %rem3A_31 : vector<16xi1>, vector<16xi32>
    %lt3A_46 = arith.constant 8 : i32
    %lt3A_47 = vector.broadcast %lt3A_46 : i32 to vector<16xi32>
    %lt3A_48 = arith.cmpi slt, %iota3A, %lt3A_47 : vector<16xi32>
    %not3A = arith.constant dense<true> : vector<16xi1>
    %not3A_49 = arith.xori %lt3A_48, %not3A : vector<16xi1>
    %scan3A = arith.constant 0 : i32
    %scan3A_50 = arith.constant 0 : i32
    %scan3A_51 = arith.constant 25 : i32
    %scan3A_52 = arith.addi %scan3A_50, %scan3A_51 : i32
    %scan3A_53 = arith.constant 1 : i32
    scf.for %scan3A_55 = %scan3A_50 to %scan3A_52 step %scan3A_53  : i32 {
      %mul3A_56 = arith.constant 6400 : i32
      %mul3A_57 = arith.muli %scan3A_55, %mul3A_56 : i32
      %multiple_of3A_58 = tpu.assume_multiple %mul3A_57, 8 : i32
      "tpu.region"() ({
        %run_scoped3A = tpu.sem_alloc : memref<!tpu.dma_semaphore, #tpu.memory_space<semaphore_mem>>
        %dma_start3A_71 = tpu.memref_slice %arg3[%multiple_of3A_58] : memref<160000xi32, #tpu.memory_space<hbm>> -> memref<6400xi32, #tpu.memory_space<hbm>>
        %dma_start3A_72 = tpu.memref_slice %arg3[%multiple_of3A_58] : memref<160000xi32, #tpu.memory_space<hbm>> -> memref<6400xi32, #tpu.memory_space<hbm>>
        tpu.enqueue_dma source(%dma_start3A_72 : memref<6400xi32, #tpu.memory_space<hbm>>) target(%arg7 : memref<6400xi32, #tpu.memory_space<vmem>>) target_semaphore(%run_scoped3A : memref<!tpu.dma_semaphore, #tpu.memory_space<semaphore_mem>>)
        %dma_wait3A = tpu.memref_slice %arg3[%multiple_of3A_58] : memref<160000xi32, #tpu.memory_space<hbm>> -> memref<6400xi32, #tpu.memory_space<hbm>>
        %dma_wait3A_73 = tpu.memref_slice %arg3[%multiple_of3A_58] : memref<160000xi32, #tpu.memory_space<hbm>> -> memref<6400xi32, #tpu.memory_space<hbm>>
        tpu.wait_dma2 semaphore(%run_scoped3A : memref<!tpu.dma_semaphore, #tpu.memory_space<semaphore_mem>>) src(%dma_wait3A_73 : memref<6400xi32, #tpu.memory_space<hbm>>) dst(%arg7 : memref<6400xi32, #tpu.memory_space<vmem>>)
        tpu.yield
      }) : () -> ()
      "tpu.region"() ({
        %run_scoped3A = tpu.sem_alloc : memref<!tpu.dma_semaphore, #tpu.memory_space<semaphore_mem>>
        %dma_start3A_71 = tpu.memref_slice %arg4[%multiple_of3A_58] : memref<160000xi32, #tpu.memory_space<hbm>> -> memref<6400xi32, #tpu.memory_space<hbm>>
        %dma_start3A_72 = tpu.memref_slice %arg4[%multiple_of3A_58] : memref<160000xi32, #tpu.memory_space<hbm>> -> memref<6400xi32, #tpu.memory_space<hbm>>
        tpu.enqueue_dma source(%dma_start3A_72 : memref<6400xi32, #tpu.memory_space<hbm>>) target(%arg8 : memref<6400xi32, #tpu.memory_space<vmem>>) target_semaphore(%run_scoped3A : memref<!tpu.dma_semaphore, #tpu.memory_space<semaphore_mem>>)
        %dma_wait3A = tpu.memref_slice %arg4[%multiple_of3A_58] : memref<160000xi32, #tpu.memory_space<hbm>> -> memref<6400xi32, #tpu.memory_space<hbm>>
        %dma_wait3A_73 = tpu.memref_slice %arg4[%multiple_of3A_58] : memref<160000xi32, #tpu.memory_space<hbm>> -> memref<6400xi32, #tpu.memory_space<hbm>>
        tpu.wait_dma2 semaphore(%run_scoped3A : memref<!tpu.dma_semaphore, #tpu.memory_space<semaphore_mem>>) src(%dma_wait3A_73 : memref<6400xi32, #tpu.memory_space<hbm>>) dst(%arg8 : memref<6400xi32, #tpu.memory_space<vmem>>)
        tpu.yield
      }) : () -> ()
      %dma_start3A = arith.constant 0 : i32
      %dma_start3A_59 = tpu.memref_slice %arg8[%dma_start3A] : memref<6400xi32, #tpu.memory_space<vmem>> -> memref<128xi32, #tpu.memory_space<vmem>>
      %dma_start3A_60 = arith.constant 0 : i32
      %dma_start3A_61 = tpu.memref_slice %arg2[%multiple_of3A, %dma_start3A_60] : memref<327680x8xf32, #tpu.memory_space<hbm>> -> memref<10240x8xf32, #tpu.memory_space<hbm>>
      %dma_start3A_62 = arith.constant 0 : i32
      %dma_start3A_63 = arith.constant 0 : i32
      %dma_start3A_64 = tpu.memref_slice %dma_start3A_61[%dma_start3A_62, %dma_start3A_63] : memref<10240x8xf32, #tpu.memory_space<hbm>> -> memref<10240x8xf32, #tpu.memory_space<hbm>>
      tpu.enqueue_indirect_dma source(%dma_start3A_64 : memref<10240x8xf32, #tpu.memory_space<hbm>>) target(%arg9 : memref<128x8xf32, #tpu.memory_space<vmem>>) offsets(%dma_start3A_59 : memref<128xi32, #tpu.memory_space<vmem>>) semaphore(%arg11 : memref<!tpu.dma_semaphore, #tpu.memory_space<semaphore_mem>>)
      %scan3A_65 = arith.constant 0 : i32
      %scan3A_66 = arith.constant 0 : i32
      %scan3A_67 = arith.constant 25 : i32
      %scan3A_68 = arith.addi %scan3A_66, %scan3A_67 : i32
      %scan3A_69 = arith.constant 1 : i32
      scf.for %scan3A_71 = %scan3A_66 to %scan3A_68 step %scan3A_69  : i32 {
        %mul3A_72 = arith.constant 2 : i32
        %mul3A_73 = arith.muli %mul3A_72, %scan3A_71 : i32
        %mul3A_74 = arith.constant 128 : i32
        %mul3A_75 = arith.muli %mul3A_73, %mul3A_74 : i32
        %dma_wait3A = tpu.memref_slice %arg8[%mul3A_75] : memref<6400xi32, #tpu.memory_space<vmem>> -> memref<128xi32, #tpu.memory_space<vmem>>
        %dma_wait3A_76 = arith.constant 0 : i32
        %dma_wait3A_77 = tpu.memref_slice %arg2[%multiple_of3A, %dma_wait3A_76] : memref<327680x8xf32, #tpu.memory_space<hbm>> -> memref<10240x8xf32, #tpu.memory_space<hbm>>
        %dma_wait3A_78 = arith.constant 0 : i32
        %dma_wait3A_79 = arith.constant 0 : i32
        %dma_wait3A_80 = tpu.memref_slice %dma_wait3A_77[%dma_wait3A_78, %dma_wait3A_79] : memref<10240x8xf32, #tpu.memory_space<hbm>> -> memref<10240x8xf32, #tpu.memory_space<hbm>>
        tpu.wait_indirect_dma semaphore(%arg11 : memref<!tpu.dma_semaphore, #tpu.memory_space<semaphore_mem>>) src(%dma_wait3A_80 : memref<10240x8xf32, #tpu.memory_space<hbm>>) dst(%arg9 : memref<128x8xf32, #tpu.memory_space<vmem>>)
        %add3A_81 = arith.constant 1 : i32
        %add3A_82 = arith.addi %mul3A_73, %add3A_81 : i32
        %mul3A_83 = arith.constant 128 : i32
        %mul3A_84 = arith.muli %add3A_82, %mul3A_83 : i32
        %dma_start3A_85 = tpu.memref_slice %arg8[%mul3A_84] : memref<6400xi32, #tpu.memory_space<vmem>> -> memref<128xi32, #tpu.memory_space<vmem>>
        %dma_start3A_86 = arith.constant 0 : i32
        %dma_start3A_87 = tpu.memref_slice %arg2[%multiple_of3A, %dma_start3A_86] : memref<327680x8xf32, #tpu.memory_space<hbm>> -> memref<10240x8xf32, #tpu.memory_space<hbm>>
        %dma_start3A_88 = arith.constant 0 : i32
        %dma_start3A_89 = arith.constant 0 : i32
        %dma_start3A_90 = tpu.memref_slice %dma_start3A_87[%dma_start3A_88, %dma_start3A_89] : memref<10240x8xf32, #tpu.memory_space<hbm>> -> memref<10240x8xf32, #tpu.memory_space<hbm>>
        tpu.enqueue_indirect_dma source(%dma_start3A_90 : memref<10240x8xf32, #tpu.memory_space<hbm>>) target(%arg10 : memref<128x8xf32, #tpu.memory_space<vmem>>) offsets(%dma_start3A_85 : memref<128xi32, #tpu.memory_space<vmem>>) semaphore(%arg12 : memref<!tpu.dma_semaphore, #tpu.memory_space<semaphore_mem>>)
        %scan3A_91 = arith.constant 0 : i32
        %scan3A_92 = arith.constant 0 : i32
        %scan3A_93 = arith.constant 64 : i32
        %scan3A_94 = arith.addi %scan3A_92, %scan3A_93 : i32
        %scan3A_95 = arith.constant 1 : i32
        scf.for %scan3A_118 = %scan3A_92 to %scan3A_94 step %scan3A_95  : i32 {
          %mul3A_119 = arith.constant 128 : i32
          %mul3A_120 = arith.muli %mul3A_73, %mul3A_119 : i32
          %mul3A_121 = arith.constant 2 : i32
          %mul3A_122 = arith.muli %mul3A_121, %scan3A_118 : i32
          %add3A_123 = arith.addi %mul3A_120, %mul3A_122 : i32
          %add3A_124 = vector.broadcast %add3A_123 : i32 to vector<16xi32>
          %add3A_125 = arith.addi %select_n3A, %add3A_124 : vector<16xi32>
          %gather3A = tpu.vector_load_idx %arg7[%add3A_125] : memref<6400xi32, #tpu.memory_space<vmem>>[vector<16xi32>], vector<16xi32>,
          %mul3A_126 = arith.constant 2 : i32
          %mul3A_127 = arith.muli %mul3A_126, %scan3A_118 : i32
          %add3A_128 = vector.broadcast %mul3A_127 : i32 to vector<16xi32>
          %add3A_129 = arith.addi %select_n3A, %add3A_128 : vector<16xi32>
          %gather3A_130 = tpu.vector_load_idx %arg9[%add3A_129, %select_n3A_45] : memref<128x8xf32, #tpu.memory_space<vmem>>[vector<16xi32>, vector<16xi32>], vector<16xf32>,
          tpu.vector_store_idx %arg6[%gather3A, %select_n3A_45], %gather3A_130 masked %lt3A_48 {add = true} : memref<10240x8xf32, #tpu.memory_space<vmem>>[vector<16xi32>, vector<16xi32>], vector<16xf32>, vector<16xi1>
          tpu.vector_store_idx %arg6[%gather3A, %select_n3A_45], %gather3A_130 masked %not3A_49 {add = true} : memref<10240x8xf32, #tpu.memory_space<vmem>>[vector<16xi32>, vector<16xi32>], vector<16xf32>, vector<16xi1>
        }
        %scan3A_96 = arith.constant 64 : i32
        %add3A_97 = arith.constant 1 : i32
        %add3A_98 = arith.addi %mul3A_73, %add3A_97 : i32
        %mul3A_99 = arith.constant 128 : i32
        %mul3A_100 = arith.muli %add3A_98, %mul3A_99 : i32
        %dma_wait3A_101 = tpu.memref_slice %arg8[%mul3A_100] : memref<6400xi32, #tpu.memory_space<vmem>> -> memref<128xi32, #tpu.memory_space<vmem>>
        %dma_wait3A_102 = arith.constant 0 : i32
        %dma_wait3A_103 = tpu.memref_slice %arg2[%multiple_of3A, %dma_wait3A_102] : memref<327680x8xf32, #tpu.memory_space<hbm>> -> memref<10240x8xf32, #tpu.memory_space<hbm>>
        %dma_wait3A_104 = arith.constant 0 : i32
        %dma_wait3A_105 = arith.constant 0 : i32
        %dma_wait3A_106 = tpu.memref_slice %dma_wait3A_103[%dma_wait3A_104, %dma_wait3A_105] : memref<10240x8xf32, #tpu.memory_space<hbm>> -> memref<10240x8xf32, #tpu.memory_space<hbm>>
        tpu.wait_indirect_dma semaphore(%arg12 : memref<!tpu.dma_semaphore, #tpu.memory_space<semaphore_mem>>) src(%dma_wait3A_106 : memref<10240x8xf32, #tpu.memory_space<hbm>>) dst(%arg10 : memref<128x8xf32, #tpu.memory_space<vmem>>)
        %lt3A_107 = arith.constant 24 : i32
        %lt3A_108 = arith.cmpi slt, %scan3A_71, %lt3A_107 : i32
        %convert_element_type3A = arith.extui %lt3A_108 : i1 to i32
        %cond3A = arith.constant 0 : i32
        %cond3A_109 = arith.cmpi ne, %convert_element_type3A, %cond3A : i32
        scf.if %cond3A_109 {
          %add3A_118 = arith.constant 2 : i32
          %add3A_119 = arith.addi %mul3A_73, %add3A_118 : i32
          %mul3A_120 = arith.constant 128 : i32
          %mul3A_121 = arith.muli %add3A_119, %mul3A_120 : i32
          %dma_start3A_122 = tpu.memref_slice %arg8[%mul3A_121] : memref<6400xi32, #tpu.memory_space<vmem>> -> memref<128xi32, #tpu.memory_space<vmem>>
          %dma_start3A_123 = arith.constant 0 : i32
          %dma_start3A_124 = tpu.memref_slice %arg2[%multiple_of3A, %dma_start3A_123] : memref<327680x8xf32, #tpu.memory_space<hbm>> -> memref<10240x8xf32, #tpu.memory_space<hbm>>
          %dma_start3A_125 = arith.constant 0 : i32
          %dma_start3A_126 = arith.constant 0 : i32
          %dma_start3A_127 = tpu.memref_slice %dma_start3A_124[%dma_start3A_125, %dma_start3A_126] : memref<10240x8xf32, #tpu.memory_space<hbm>> -> memref<10240x8xf32, #tpu.memory_space<hbm>>
          tpu.enqueue_indirect_dma source(%dma_start3A_127 : memref<10240x8xf32, #tpu.memory_space<hbm>>) target(%arg9 : memref<128x8xf32, #tpu.memory_space<vmem>>) offsets(%dma_start3A_122 : memref<128xi32, #tpu.memory_space<vmem>>) semaphore(%arg11 : memref<!tpu.dma_semaphore, #tpu.memory_space<semaphore_mem>>)
        } else {
        }
        %add3A_110 = arith.constant 1 : i32
        %add3A_111 = arith.addi %mul3A_73, %add3A_110 : i32
        %scan3A_112 = arith.constant 0 : i32
        %scan3A_113 = arith.constant 0 : i32
        %scan3A_114 = arith.constant 64 : i32
        %scan3A_115 = arith.addi %scan3A_113, %scan3A_114 : i32
        %scan3A_116 = arith.constant 1 : i32
        scf.for %scan3A_118 = %scan3A_113 to %scan3A_115 step %scan3A_116  : i32 {
          %mul3A_119 = arith.constant 128 : i32
          %mul3A_120 = arith.muli %add3A_111, %mul3A_119 : i32
          %mul3A_121 = arith.constant 2 : i32
          %mul3A_122 = arith.muli %mul3A_121, %scan3A_118 : i32
          %add3A_123 = arith.addi %mul3A_120, %mul3A_122 : i32
          %add3A_124 = vector.broadcast %add3A_123 : i32 to vector<16xi32>
          %add3A_125 = arith.addi %select_n3A, %add3A_124 : vector<16xi32>
          %gather3A = tpu.vector_load_idx %arg7[%add3A_125] : memref<6400xi32, #tpu.memory_space<vmem>>[vector<16xi32>], vector<16xi32>,
          %mul3A_126 = arith.constant 2 : i32
          %mul3A_127 = arith.muli %mul3A_126, %scan3A_118 : i32
          %add3A_128 = vector.broadcast %mul3A_127 : i32 to vector<16xi32>
          %add3A_129 = arith.addi %select_n3A, %add3A_128 : vector<16xi32>
          %gather3A_130 = tpu.vector_load_idx %arg10[%add3A_129, %select_n3A_45] : memref<128x8xf32, #tpu.memory_space<vmem>>[vector<16xi32>, vector<16xi32>], vector<16xf32>,
          tpu.vector_store_idx %arg6[%gather3A, %select_n3A_45], %gather3A_130 masked %lt3A_48 {add = true} : memref<10240x8xf32, #tpu.memory_space<vmem>>[vector<16xi32>, vector<16xi32>], vector<16xf32>, vector<16xi1>
          tpu.vector_store_idx %arg6[%gather3A, %select_n3A_45], %gather3A_130 masked %not3A_49 {add = true} : memref<10240x8xf32, #tpu.memory_space<vmem>>[vector<16xi32>, vector<16xi32>], vector<16xf32>, vector<16xi1>
        }
        %scan3A_117 = arith.constant 64 : i32
      }
      %scan3A_70 = arith.constant 25 : i32
    }
    %scan3A_54 = arith.constant 25 : i32
    "tpu.region"() ({
      %run_scoped3A = tpu.sem_alloc : memref<!tpu.dma_semaphore, #tpu.memory_space<semaphore_mem>>
      %dma_start3A = arith.constant 0 : i32
      %dma_start3A_55 = tpu.memref_slice %arg5[%multiple_of3A, %dma_start3A] : memref<327680x8xf32, #tpu.memory_space<hbm>> -> memref<10240x8xf32, #tpu.memory_space<hbm>>
      %dma_start3A_56 = arith.constant 0 : i32
      %dma_start3A_57 = tpu.memref_slice %arg5[%multiple_of3A, %dma_start3A_56] : memref<327680x8xf32, #tpu.memory_space<hbm>> -> memref<10240x8xf32, #tpu.memory_space<hbm>>
      tpu.enqueue_dma source(%arg6 : memref<10240x8xf32, #tpu.memory_space<vmem>>) target(%dma_start3A_57 : memref<10240x8xf32, #tpu.memory_space<hbm>>) target_semaphore(%run_scoped3A : memref<!tpu.dma_semaphore, #tpu.memory_space<semaphore_mem>>)
      %dma_wait3A = arith.constant 0 : i32
      %dma_wait3A_58 = tpu.memref_slice %arg5[%multiple_of3A, %dma_wait3A] : memref<327680x8xf32, #tpu.memory_space<hbm>> -> memref<10240x8xf32, #tpu.memory_space<hbm>>
      %dma_wait3A_59 = arith.constant 0 : i32
      %dma_wait3A_60 = tpu.memref_slice %arg5[%multiple_of3A, %dma_wait3A_59] : memref<327680x8xf32, #tpu.memory_space<hbm>> -> memref<10240x8xf32, #tpu.memory_space<hbm>>
      tpu.wait_dma2 semaphore(%run_scoped3A : memref<!tpu.dma_semaphore, #tpu.memory_space<semaphore_mem>>) src(%arg6 : memref<10240x8xf32, #tpu.memory_space<vmem>>) dst(%dma_wait3A_60 : memref<10240x8xf32, #tpu.memory_space<hbm>>)
      tpu.yield
    }) : () -> ()
    return
  }
}

module attributes {stable_mosaic.version = 14 : i64} {
  func.func @mm_body(%arg0: i32, %arg1: memref<400x256xf32, #tpu.memory_space<vmem>>, %arg2: memref<256x256xf32, #tpu.memory_space<vmem>>, %arg3: memref<32x400x8xf32, #tpu.memory_space<vmem>>, %arg4: memref<32x400x8xf32, #tpu.memory_space<vmem>>) attributes {dimension_semantics = [#tpu.dimension_semantics<arbitrary>], iteration_bounds = array<i64: 25>, scalar_prefetch = 0 : i64, scratch_operands = 0 : i64, tpu.core_type = #tpu.core_type<tc>, window_params = [{transform_indices = @transform_0, window_bounds = array<i64: 400, 256>}, {pipeline_mode = #tpu.pipeline_mode<synchronous>, transform_indices = @transform_1, window_bounds = array<i64: 256, 256>}, {transform_indices = @transform_2, window_bounds = array<i64: 32, 400, 8>}, {transform_indices = @transform_3, window_bounds = array<i64: 32, 400, 8>}]} {
    %get3A = arith.constant 0 : index
    %get3A_0 = arith.constant 0 : index
    %get3A_1 = vector.load %arg1[%get3A, %get3A_0] : memref<400x256xf32, #tpu.memory_space<vmem>>, vector<400x256xf32>
    %get3A_2 = arith.constant 0 : index
    %get3A_3 = arith.constant 0 : index
    %get3A_4 = vector.load %arg2[%get3A_2, %get3A_3] : memref<256x256xf32, #tpu.memory_space<vmem>>, vector<256x256xf32>
    %dot_general3A = arith.constant dense<0.000000e+00> : vector<400x256xf32>
    %dot_general3A_5 = tpu.matmul %get3A_1, %get3A_4, %dot_general3A {dimension_numbers = #tpu.dot_dimension_numbers<[1], [0], [0], [1], [0, 0, 1, 1], [], []>, transpose_lhs_hint = false} : vector<400x256xf32>, vector<256x256xf32>, vector<400x256xf32> -> vector<400x256xf32>
    %get3A_6 = arith.constant 0 : index
    %get3A_7 = arith.constant 0 : index
    %get3A_8 = arith.constant 0 : index
    %get3A_9 = vector.load %arg3[%get3A_6, %get3A_7, %get3A_8] : memref<32x400x8xf32, #tpu.memory_space<vmem>>, vector<32x400x8xf32>
    %reduce_sum3A = arith.constant dense<0.000000e+00> : vector<400x8xf32>
    %reduce_sum3A_10 = vector.multi_reduction <add>, %get3A_9, %reduce_sum3A [0] : vector<32x400x8xf32> to vector<400x8xf32>
    %slice3A = vector.extract_strided_slice %reduce_sum3A_10 {offsets = [0, 0], sizes = [400, 1], strides = [1, 1]} : vector<400x8xf32> to vector<400x1xf32>
    %add3A = arith.constant 1.000000e+00 : f32
    %add3A_11 = vector.broadcast %add3A : f32 to vector<400x1xf32>
    %add3A_12 = arith.addf %slice3A, %add3A_11 : vector<400x1xf32>
    %rsqrt3A = math.rsqrt %add3A_12 : vector<400x1xf32>
    %mul3A = vector.broadcast %rsqrt3A : vector<400x1xf32> to vector<400x256xf32>
    %mul3A_13 = arith.mulf %dot_general3A_5, %mul3A : vector<400x256xf32>
    %slice3A_14 = vector.extract_strided_slice %mul3A_13 {offsets = [0, 0], sizes = [400, 8], strides = [1, 1]} : vector<400x256xf32> to vector<400x8xf32>
    %swap3A = arith.constant 0 : index
    %swap3A_15 = arith.constant 0 : index
    %swap3A_16 = arith.constant 0 : index
    %swap3A_17 = vector.load %arg4[%swap3A, %swap3A_15, %swap3A_16] : memref<32x400x8xf32, #tpu.memory_space<vmem>>, vector<1x400x8xf32>
    %swap3A_18 = vector.shape_cast %swap3A_17 : vector<1x400x8xf32> to vector<400x8xf32>
    %swap3A_19 = vector.shape_cast %slice3A_14 : vector<400x8xf32> to vector<1x400x8xf32>
    tpu.vector_store %arg4[%swap3A, %swap3A_15, %swap3A_16], %swap3A_19 {strides = array<i32>} : memref<32x400x8xf32, #tpu.memory_space<vmem>>, vector<1x400x8xf32>,
    %slice3A_20 = vector.extract_strided_slice %mul3A_13 {offsets = [0, 8], sizes = [400, 8], strides = [1, 1]} : vector<400x256xf32> to vector<400x8xf32>
    %swap3A_21 = arith.constant 1 : index
    %swap3A_22 = arith.constant 0 : index
    %swap3A_23 = arith.constant 0 : index
    %swap3A_24 = vector.load %arg4[%swap3A_21, %swap3A_22, %swap3A_23] : memref<32x400x8xf32, #tpu.memory_space<vmem>>, vector<1x400x8xf32>
    %swap3A_25 = vector.shape_cast %swap3A_24 : vector<1x400x8xf32> to vector<400x8xf32>
    %swap3A_26 = vector.shape_cast %slice3A_20 : vector<400x8xf32> to vector<1x400x8xf32>
    tpu.vector_store %arg4[%swap3A_21, %swap3A_22, %swap3A_23], %swap3A_26 {strides = array<i32>} : memref<32x400x8xf32, #tpu.memory_space<vmem>>, vector<1x400x8xf32>,
    %slice3A_27 = vector.extract_strided_slice %mul3A_13 {offsets = [0, 16], sizes = [400, 8], strides = [1, 1]} : vector<400x256xf32> to vector<400x8xf32>
    %swap3A_28 = arith.constant 2 : index
    %swap3A_29 = arith.constant 0 : index
    %swap3A_30 = arith.constant 0 : index
    %swap3A_31 = vector.load %arg4[%swap3A_28, %swap3A_29, %swap3A_30] : memref<32x400x8xf32, #tpu.memory_space<vmem>>, vector<1x400x8xf32>
    %swap3A_32 = vector.shape_cast %swap3A_31 : vector<1x400x8xf32> to vector<400x8xf32>
    %swap3A_33 = vector.shape_cast %slice3A_27 : vector<400x8xf32> to vector<1x400x8xf32>
    tpu.vector_store %arg4[%swap3A_28, %swap3A_29, %swap3A_30], %swap3A_33 {strides = array<i32>} : memref<32x400x8xf32, #tpu.memory_space<vmem>>, vector<1x400x8xf32>,
    %slice3A_34 = vector.extract_strided_slice %mul3A_13 {offsets = [0, 24], sizes = [400, 8], strides = [1, 1]} : vector<400x256xf32> to vector<400x8xf32>
    %swap3A_35 = arith.constant 3 : index
    %swap3A_36 = arith.constant 0 : index
    %swap3A_37 = arith.constant 0 : index
    %swap3A_38 = vector.load %arg4[%swap3A_35, %swap3A_36, %swap3A_37] : memref<32x400x8xf32, #tpu.memory_space<vmem>>, vector<1x400x8xf32>
    %swap3A_39 = vector.shape_cast %swap3A_38 : vector<1x400x8xf32> to vector<400x8xf32>
    %swap3A_40 = vector.shape_cast %slice3A_34 : vector<400x8xf32> to vector<1x400x8xf32>
    tpu.vector_store %arg4[%swap3A_35, %swap3A_36, %swap3A_37], %swap3A_40 {strides = array<i32>} : memref<32x400x8xf32, #tpu.memory_space<vmem>>, vector<1x400x8xf32>,
    %slice3A_41 = vector.extract_strided_slice %mul3A_13 {offsets = [0, 32], sizes = [400, 8], strides = [1, 1]} : vector<400x256xf32> to vector<400x8xf32>
    %swap3A_42 = arith.constant 4 : index
    %swap3A_43 = arith.constant 0 : index
    %swap3A_44 = arith.constant 0 : index
    %swap3A_45 = vector.load %arg4[%swap3A_42, %swap3A_43, %swap3A_44] : memref<32x400x8xf32, #tpu.memory_space<vmem>>, vector<1x400x8xf32>
    %swap3A_46 = vector.shape_cast %swap3A_45 : vector<1x400x8xf32> to vector<400x8xf32>
    %swap3A_47 = vector.shape_cast %slice3A_41 : vector<400x8xf32> to vector<1x400x8xf32>
    tpu.vector_store %arg4[%swap3A_42, %swap3A_43, %swap3A_44], %swap3A_47 {strides = array<i32>} : memref<32x400x8xf32, #tpu.memory_space<vmem>>, vector<1x400x8xf32>,
    %slice3A_48 = vector.extract_strided_slice %mul3A_13 {offsets = [0, 40], sizes = [400, 8], strides = [1, 1]} : vector<400x256xf32> to vector<400x8xf32>
    %swap3A_49 = arith.constant 5 : index
    %swap3A_50 = arith.constant 0 : index
    %swap3A_51 = arith.constant 0 : index
    %swap3A_52 = vector.load %arg4[%swap3A_49, %swap3A_50, %swap3A_51] : memref<32x400x8xf32, #tpu.memory_space<vmem>>, vector<1x400x8xf32>
    %swap3A_53 = vector.shape_cast %swap3A_52 : vector<1x400x8xf32> to vector<400x8xf32>
    %swap3A_54 = vector.shape_cast %slice3A_48 : vector<400x8xf32> to vector<1x400x8xf32>
    tpu.vector_store %arg4[%swap3A_49, %swap3A_50, %swap3A_51], %swap3A_54 {strides = array<i32>} : memref<32x400x8xf32, #tpu.memory_space<vmem>>, vector<1x400x8xf32>,
    %slice3A_55 = vector.extract_strided_slice %mul3A_13 {offsets = [0, 48], sizes = [400, 8], strides = [1, 1]} : vector<400x256xf32> to vector<400x8xf32>
    %swap3A_56 = arith.constant 6 : index
    %swap3A_57 = arith.constant 0 : index
    %swap3A_58 = arith.constant 0 : index
    %swap3A_59 = vector.load %arg4[%swap3A_56, %swap3A_57, %swap3A_58] : memref<32x400x8xf32, #tpu.memory_space<vmem>>, vector<1x400x8xf32>
    %swap3A_60 = vector.shape_cast %swap3A_59 : vector<1x400x8xf32> to vector<400x8xf32>
    %swap3A_61 = vector.shape_cast %slice3A_55 : vector<400x8xf32> to vector<1x400x8xf32>
    tpu.vector_store %arg4[%swap3A_56, %swap3A_57, %swap3A_58], %swap3A_61 {strides = array<i32>} : memref<32x400x8xf32, #tpu.memory_space<vmem>>, vector<1x400x8xf32>,
    %slice3A_62 = vector.extract_strided_slice %mul3A_13 {offsets = [0, 56], sizes = [400, 8], strides = [1, 1]} : vector<400x256xf32> to vector<400x8xf32>
    %swap3A_63 = arith.constant 7 : index
    %swap3A_64 = arith.constant 0 : index
    %swap3A_65 = arith.constant 0 : index
    %swap3A_66 = vector.load %arg4[%swap3A_63, %swap3A_64, %swap3A_65] : memref<32x400x8xf32, #tpu.memory_space<vmem>>, vector<1x400x8xf32>
    %swap3A_67 = vector.shape_cast %swap3A_66 : vector<1x400x8xf32> to vector<400x8xf32>
    %swap3A_68 = vector.shape_cast %slice3A_62 : vector<400x8xf32> to vector<1x400x8xf32>
    tpu.vector_store %arg4[%swap3A_63, %swap3A_64, %swap3A_65], %swap3A_68 {strides = array<i32>} : memref<32x400x8xf32, #tpu.memory_space<vmem>>, vector<1x400x8xf32>,
    %slice3A_69 = vector.extract_strided_slice %mul3A_13 {offsets = [0, 64], sizes = [400, 8], strides = [1, 1]} : vector<400x256xf32> to vector<400x8xf32>
    %swap3A_70 = arith.constant 8 : index
    %swap3A_71 = arith.constant 0 : index
    %swap3A_72 = arith.constant 0 : index
    %swap3A_73 = vector.load %arg4[%swap3A_70, %swap3A_71, %swap3A_72] : memref<32x400x8xf32, #tpu.memory_space<vmem>>, vector<1x400x8xf32>
    %swap3A_74 = vector.shape_cast %swap3A_73 : vector<1x400x8xf32> to vector<400x8xf32>
    %swap3A_75 = vector.shape_cast %slice3A_69 : vector<400x8xf32> to vector<1x400x8xf32>
    tpu.vector_store %arg4[%swap3A_70, %swap3A_71, %swap3A_72], %swap3A_75 {strides = array<i32>} : memref<32x400x8xf32, #tpu.memory_space<vmem>>, vector<1x400x8xf32>,
    %slice3A_76 = vector.extract_strided_slice %mul3A_13 {offsets = [0, 72], sizes = [400, 8], strides = [1, 1]} : vector<400x256xf32> to vector<400x8xf32>
    %swap3A_77 = arith.constant 9 : index
    %swap3A_78 = arith.constant 0 : index
    %swap3A_79 = arith.constant 0 : index
    %swap3A_80 = vector.load %arg4[%swap3A_77, %swap3A_78, %swap3A_79] : memref<32x400x8xf32, #tpu.memory_space<vmem>>, vector<1x400x8xf32>
    %swap3A_81 = vector.shape_cast %swap3A_80 : vector<1x400x8xf32> to vector<400x8xf32>
    %swap3A_82 = vector.shape_cast %slice3A_76 : vector<400x8xf32> to vector<1x400x8xf32>
    tpu.vector_store %arg4[%swap3A_77, %swap3A_78, %swap3A_79], %swap3A_82 {strides = array<i32>} : memref<32x400x8xf32, #tpu.memory_space<vmem>>, vector<1x400x8xf32>,
    %slice3A_83 = vector.extract_strided_slice %mul3A_13 {offsets = [0, 80], sizes = [400, 8], strides = [1, 1]} : vector<400x256xf32> to vector<400x8xf32>
    %swap3A_84 = arith.constant 10 : index
    %swap3A_85 = arith.constant 0 : index
    %swap3A_86 = arith.constant 0 : index
    %swap3A_87 = vector.load %arg4[%swap3A_84, %swap3A_85, %swap3A_86] : memref<32x400x8xf32, #tpu.memory_space<vmem>>, vector<1x400x8xf32>
    %swap3A_88 = vector.shape_cast %swap3A_87 : vector<1x400x8xf32> to vector<400x8xf32>
    %swap3A_89 = vector.shape_cast %slice3A_83 : vector<400x8xf32> to vector<1x400x8xf32>
    tpu.vector_store %arg4[%swap3A_84, %swap3A_85, %swap3A_86], %swap3A_89 {strides = array<i32>} : memref<32x400x8xf32, #tpu.memory_space<vmem>>, vector<1x400x8xf32>,
    %slice3A_90 = vector.extract_strided_slice %mul3A_13 {offsets = [0, 88], sizes = [400, 8], strides = [1, 1]} : vector<400x256xf32> to vector<400x8xf32>
    %swap3A_91 = arith.constant 11 : index
    %swap3A_92 = arith.constant 0 : index
    %swap3A_93 = arith.constant 0 : index
    %swap3A_94 = vector.load %arg4[%swap3A_91, %swap3A_92, %swap3A_93] : memref<32x400x8xf32, #tpu.memory_space<vmem>>, vector<1x400x8xf32>
    %swap3A_95 = vector.shape_cast %swap3A_94 : vector<1x400x8xf32> to vector<400x8xf32>
    %swap3A_96 = vector.shape_cast %slice3A_90 : vector<400x8xf32> to vector<1x400x8xf32>
    tpu.vector_store %arg4[%swap3A_91, %swap3A_92, %swap3A_93], %swap3A_96 {strides = array<i32>} : memref<32x400x8xf32, #tpu.memory_space<vmem>>, vector<1x400x8xf32>,
    %slice3A_97 = vector.extract_strided_slice %mul3A_13 {offsets = [0, 96], sizes = [400, 8], strides = [1, 1]} : vector<400x256xf32> to vector<400x8xf32>
    %swap3A_98 = arith.constant 12 : index
    %swap3A_99 = arith.constant 0 : index
    %swap3A_100 = arith.constant 0 : index
    %swap3A_101 = vector.load %arg4[%swap3A_98, %swap3A_99, %swap3A_100] : memref<32x400x8xf32, #tpu.memory_space<vmem>>, vector<1x400x8xf32>
    %swap3A_102 = vector.shape_cast %swap3A_101 : vector<1x400x8xf32> to vector<400x8xf32>
    %swap3A_103 = vector.shape_cast %slice3A_97 : vector<400x8xf32> to vector<1x400x8xf32>
    tpu.vector_store %arg4[%swap3A_98, %swap3A_99, %swap3A_100], %swap3A_103 {strides = array<i32>} : memref<32x400x8xf32, #tpu.memory_space<vmem>>, vector<1x400x8xf32>,
    %slice3A_104 = vector.extract_strided_slice %mul3A_13 {offsets = [0, 104], sizes = [400, 8], strides = [1, 1]} : vector<400x256xf32> to vector<400x8xf32>
    %swap3A_105 = arith.constant 13 : index
    %swap3A_106 = arith.constant 0 : index
    %swap3A_107 = arith.constant 0 : index
    %swap3A_108 = vector.load %arg4[%swap3A_105, %swap3A_106, %swap3A_107] : memref<32x400x8xf32, #tpu.memory_space<vmem>>, vector<1x400x8xf32>
    %swap3A_109 = vector.shape_cast %swap3A_108 : vector<1x400x8xf32> to vector<400x8xf32>
    %swap3A_110 = vector.shape_cast %slice3A_104 : vector<400x8xf32> to vector<1x400x8xf32>
    tpu.vector_store %arg4[%swap3A_105, %swap3A_106, %swap3A_107], %swap3A_110 {strides = array<i32>} : memref<32x400x8xf32, #tpu.memory_space<vmem>>, vector<1x400x8xf32>,
    %slice3A_111 = vector.extract_strided_slice %mul3A_13 {offsets = [0, 112], sizes = [400, 8], strides = [1, 1]} : vector<400x256xf32> to vector<400x8xf32>
    %swap3A_112 = arith.constant 14 : index
    %swap3A_113 = arith.constant 0 : index
    %swap3A_114 = arith.constant 0 : index
    %swap3A_115 = vector.load %arg4[%swap3A_112, %swap3A_113, %swap3A_114] : memref<32x400x8xf32, #tpu.memory_space<vmem>>, vector<1x400x8xf32>
    %swap3A_116 = vector.shape_cast %swap3A_115 : vector<1x400x8xf32> to vector<400x8xf32>
    %swap3A_117 = vector.shape_cast %slice3A_111 : vector<400x8xf32> to vector<1x400x8xf32>
    tpu.vector_store %arg4[%swap3A_112, %swap3A_113, %swap3A_114], %swap3A_117 {strides = array<i32>} : memref<32x400x8xf32, #tpu.memory_space<vmem>>, vector<1x400x8xf32>,
    %slice3A_118 = vector.extract_strided_slice %mul3A_13 {offsets = [0, 120], sizes = [400, 8], strides = [1, 1]} : vector<400x256xf32> to vector<400x8xf32>
    %swap3A_119 = arith.constant 15 : index
    %swap3A_120 = arith.constant 0 : index
    %swap3A_121 = arith.constant 0 : index
    %swap3A_122 = vector.load %arg4[%swap3A_119, %swap3A_120, %swap3A_121] : memref<32x400x8xf32, #tpu.memory_space<vmem>>, vector<1x400x8xf32>
    %swap3A_123 = vector.shape_cast %swap3A_122 : vector<1x400x8xf32> to vector<400x8xf32>
    %swap3A_124 = vector.shape_cast %slice3A_118 : vector<400x8xf32> to vector<1x400x8xf32>
    tpu.vector_store %arg4[%swap3A_119, %swap3A_120, %swap3A_121], %swap3A_124 {strides = array<i32>} : memref<32x400x8xf32, #tpu.memory_space<vmem>>, vector<1x400x8xf32>,
    %slice3A_125 = vector.extract_strided_slice %mul3A_13 {offsets = [0, 128], sizes = [400, 8], strides = [1, 1]} : vector<400x256xf32> to vector<400x8xf32>
    %swap3A_126 = arith.constant 16 : index
    %swap3A_127 = arith.constant 0 : index
    %swap3A_128 = arith.constant 0 : index
    %swap3A_129 = vector.load %arg4[%swap3A_126, %swap3A_127, %swap3A_128] : memref<32x400x8xf32, #tpu.memory_space<vmem>>, vector<1x400x8xf32>
    %swap3A_130 = vector.shape_cast %swap3A_129 : vector<1x400x8xf32> to vector<400x8xf32>
    %swap3A_131 = vector.shape_cast %slice3A_125 : vector<400x8xf32> to vector<1x400x8xf32>
    tpu.vector_store %arg4[%swap3A_126, %swap3A_127, %swap3A_128], %swap3A_131 {strides = array<i32>} : memref<32x400x8xf32, #tpu.memory_space<vmem>>, vector<1x400x8xf32>,
    %slice3A_132 = vector.extract_strided_slice %mul3A_13 {offsets = [0, 136], sizes = [400, 8], strides = [1, 1]} : vector<400x256xf32> to vector<400x8xf32>
    %swap3A_133 = arith.constant 17 : index
    %swap3A_134 = arith.constant 0 : index
    %swap3A_135 = arith.constant 0 : index
    %swap3A_136 = vector.load %arg4[%swap3A_133, %swap3A_134, %swap3A_135] : memref<32x400x8xf32, #tpu.memory_space<vmem>>, vector<1x400x8xf32>
    %swap3A_137 = vector.shape_cast %swap3A_136 : vector<1x400x8xf32> to vector<400x8xf32>
    %swap3A_138 = vector.shape_cast %slice3A_132 : vector<400x8xf32> to vector<1x400x8xf32>
    tpu.vector_store %arg4[%swap3A_133, %swap3A_134, %swap3A_135], %swap3A_138 {strides = array<i32>} : memref<32x400x8xf32, #tpu.memory_space<vmem>>, vector<1x400x8xf32>,
    %slice3A_139 = vector.extract_strided_slice %mul3A_13 {offsets = [0, 144], sizes = [400, 8], strides = [1, 1]} : vector<400x256xf32> to vector<400x8xf32>
    %swap3A_140 = arith.constant 18 : index
    %swap3A_141 = arith.constant 0 : index
    %swap3A_142 = arith.constant 0 : index
    %swap3A_143 = vector.load %arg4[%swap3A_140, %swap3A_141, %swap3A_142] : memref<32x400x8xf32, #tpu.memory_space<vmem>>, vector<1x400x8xf32>
    %swap3A_144 = vector.shape_cast %swap3A_143 : vector<1x400x8xf32> to vector<400x8xf32>
    %swap3A_145 = vector.shape_cast %slice3A_139 : vector<400x8xf32> to vector<1x400x8xf32>
    tpu.vector_store %arg4[%swap3A_140, %swap3A_141, %swap3A_142], %swap3A_145 {strides = array<i32>} : memref<32x400x8xf32, #tpu.memory_space<vmem>>, vector<1x400x8xf32>,
    %slice3A_146 = vector.extract_strided_slice %mul3A_13 {offsets = [0, 152], sizes = [400, 8], strides = [1, 1]} : vector<400x256xf32> to vector<400x8xf32>
    %swap3A_147 = arith.constant 19 : index
    %swap3A_148 = arith.constant 0 : index
    %swap3A_149 = arith.constant 0 : index
    %swap3A_150 = vector.load %arg4[%swap3A_147, %swap3A_148, %swap3A_149] : memref<32x400x8xf32, #tpu.memory_space<vmem>>, vector<1x400x8xf32>
    %swap3A_151 = vector.shape_cast %swap3A_150 : vector<1x400x8xf32> to vector<400x8xf32>
    %swap3A_152 = vector.shape_cast %slice3A_146 : vector<400x8xf32> to vector<1x400x8xf32>
    tpu.vector_store %arg4[%swap3A_147, %swap3A_148, %swap3A_149], %swap3A_152 {strides = array<i32>} : memref<32x400x8xf32, #tpu.memory_space<vmem>>, vector<1x400x8xf32>,
    %slice3A_153 = vector.extract_strided_slice %mul3A_13 {offsets = [0, 160], sizes = [400, 8], strides = [1, 1]} : vector<400x256xf32> to vector<400x8xf32>
    %swap3A_154 = arith.constant 20 : index
    %swap3A_155 = arith.constant 0 : index
    %swap3A_156 = arith.constant 0 : index
    %swap3A_157 = vector.load %arg4[%swap3A_154, %swap3A_155, %swap3A_156] : memref<32x400x8xf32, #tpu.memory_space<vmem>>, vector<1x400x8xf32>
    %swap3A_158 = vector.shape_cast %swap3A_157 : vector<1x400x8xf32> to vector<400x8xf32>
    %swap3A_159 = vector.shape_cast %slice3A_153 : vector<400x8xf32> to vector<1x400x8xf32>
    tpu.vector_store %arg4[%swap3A_154, %swap3A_155, %swap3A_156], %swap3A_159 {strides = array<i32>} : memref<32x400x8xf32, #tpu.memory_space<vmem>>, vector<1x400x8xf32>,
    %slice3A_160 = vector.extract_strided_slice %mul3A_13 {offsets = [0, 168], sizes = [400, 8], strides = [1, 1]} : vector<400x256xf32> to vector<400x8xf32>
    %swap3A_161 = arith.constant 21 : index
    %swap3A_162 = arith.constant 0 : index
    %swap3A_163 = arith.constant 0 : index
    %swap3A_164 = vector.load %arg4[%swap3A_161, %swap3A_162, %swap3A_163] : memref<32x400x8xf32, #tpu.memory_space<vmem>>, vector<1x400x8xf32>
    %swap3A_165 = vector.shape_cast %swap3A_164 : vector<1x400x8xf32> to vector<400x8xf32>
    %swap3A_166 = vector.shape_cast %slice3A_160 : vector<400x8xf32> to vector<1x400x8xf32>
    tpu.vector_store %arg4[%swap3A_161, %swap3A_162, %swap3A_163], %swap3A_166 {strides = array<i32>} : memref<32x400x8xf32, #tpu.memory_space<vmem>>, vector<1x400x8xf32>,
    %slice3A_167 = vector.extract_strided_slice %mul3A_13 {offsets = [0, 176], sizes = [400, 8], strides = [1, 1]} : vector<400x256xf32> to vector<400x8xf32>
    %swap3A_168 = arith.constant 22 : index
    %swap3A_169 = arith.constant 0 : index
    %swap3A_170 = arith.constant 0 : index
    %swap3A_171 = vector.load %arg4[%swap3A_168, %swap3A_169, %swap3A_170] : memref<32x400x8xf32, #tpu.memory_space<vmem>>, vector<1x400x8xf32>
    %swap3A_172 = vector.shape_cast %swap3A_171 : vector<1x400x8xf32> to vector<400x8xf32>
    %swap3A_173 = vector.shape_cast %slice3A_167 : vector<400x8xf32> to vector<1x400x8xf32>
    tpu.vector_store %arg4[%swap3A_168, %swap3A_169, %swap3A_170], %swap3A_173 {strides = array<i32>} : memref<32x400x8xf32, #tpu.memory_space<vmem>>, vector<1x400x8xf32>,
    %slice3A_174 = vector.extract_strided_slice %mul3A_13 {offsets = [0, 184], sizes = [400, 8], strides = [1, 1]} : vector<400x256xf32> to vector<400x8xf32>
    %swap3A_175 = arith.constant 23 : index
    %swap3A_176 = arith.constant 0 : index
    %swap3A_177 = arith.constant 0 : index
    %swap3A_178 = vector.load %arg4[%swap3A_175, %swap3A_176, %swap3A_177] : memref<32x400x8xf32, #tpu.memory_space<vmem>>, vector<1x400x8xf32>
    %swap3A_179 = vector.shape_cast %swap3A_178 : vector<1x400x8xf32> to vector<400x8xf32>
    %swap3A_180 = vector.shape_cast %slice3A_174 : vector<400x8xf32> to vector<1x400x8xf32>
    tpu.vector_store %arg4[%swap3A_175, %swap3A_176, %swap3A_177], %swap3A_180 {strides = array<i32>} : memref<32x400x8xf32, #tpu.memory_space<vmem>>, vector<1x400x8xf32>,
    %slice3A_181 = vector.extract_strided_slice %mul3A_13 {offsets = [0, 192], sizes = [400, 8], strides = [1, 1]} : vector<400x256xf32> to vector<400x8xf32>
    %swap3A_182 = arith.constant 24 : index
    %swap3A_183 = arith.constant 0 : index
    %swap3A_184 = arith.constant 0 : index
    %swap3A_185 = vector.load %arg4[%swap3A_182, %swap3A_183, %swap3A_184] : memref<32x400x8xf32, #tpu.memory_space<vmem>>, vector<1x400x8xf32>
    %swap3A_186 = vector.shape_cast %swap3A_185 : vector<1x400x8xf32> to vector<400x8xf32>
    %swap3A_187 = vector.shape_cast %slice3A_181 : vector<400x8xf32> to vector<1x400x8xf32>
    tpu.vector_store %arg4[%swap3A_182, %swap3A_183, %swap3A_184], %swap3A_187 {strides = array<i32>} : memref<32x400x8xf32, #tpu.memory_space<vmem>>, vector<1x400x8xf32>,
    %slice3A_188 = vector.extract_strided_slice %mul3A_13 {offsets = [0, 200], sizes = [400, 8], strides = [1, 1]} : vector<400x256xf32> to vector<400x8xf32>
    %swap3A_189 = arith.constant 25 : index
    %swap3A_190 = arith.constant 0 : index
    %swap3A_191 = arith.constant 0 : index
    %swap3A_192 = vector.load %arg4[%swap3A_189, %swap3A_190, %swap3A_191] : memref<32x400x8xf32, #tpu.memory_space<vmem>>, vector<1x400x8xf32>
    %swap3A_193 = vector.shape_cast %swap3A_192 : vector<1x400x8xf32> to vector<400x8xf32>
    %swap3A_194 = vector.shape_cast %slice3A_188 : vector<400x8xf32> to vector<1x400x8xf32>
    tpu.vector_store %arg4[%swap3A_189, %swap3A_190, %swap3A_191], %swap3A_194 {strides = array<i32>} : memref<32x400x8xf32, #tpu.memory_space<vmem>>, vector<1x400x8xf32>,
    %slice3A_195 = vector.extract_strided_slice %mul3A_13 {offsets = [0, 208], sizes = [400, 8], strides = [1, 1]} : vector<400x256xf32> to vector<400x8xf32>
    %swap3A_196 = arith.constant 26 : index
    %swap3A_197 = arith.constant 0 : index
    %swap3A_198 = arith.constant 0 : index
    %swap3A_199 = vector.load %arg4[%swap3A_196, %swap3A_197, %swap3A_198] : memref<32x400x8xf32, #tpu.memory_space<vmem>>, vector<1x400x8xf32>
    %swap3A_200 = vector.shape_cast %swap3A_199 : vector<1x400x8xf32> to vector<400x8xf32>
    %swap3A_201 = vector.shape_cast %slice3A_195 : vector<400x8xf32> to vector<1x400x8xf32>
    tpu.vector_store %arg4[%swap3A_196, %swap3A_197, %swap3A_198], %swap3A_201 {strides = array<i32>} : memref<32x400x8xf32, #tpu.memory_space<vmem>>, vector<1x400x8xf32>,
    %slice3A_202 = vector.extract_strided_slice %mul3A_13 {offsets = [0, 216], sizes = [400, 8], strides = [1, 1]} : vector<400x256xf32> to vector<400x8xf32>
    %swap3A_203 = arith.constant 27 : index
    %swap3A_204 = arith.constant 0 : index
    %swap3A_205 = arith.constant 0 : index
    %swap3A_206 = vector.load %arg4[%swap3A_203, %swap3A_204, %swap3A_205] : memref<32x400x8xf32, #tpu.memory_space<vmem>>, vector<1x400x8xf32>
    %swap3A_207 = vector.shape_cast %swap3A_206 : vector<1x400x8xf32> to vector<400x8xf32>
    %swap3A_208 = vector.shape_cast %slice3A_202 : vector<400x8xf32> to vector<1x400x8xf32>
    tpu.vector_store %arg4[%swap3A_203, %swap3A_204, %swap3A_205], %swap3A_208 {strides = array<i32>} : memref<32x400x8xf32, #tpu.memory_space<vmem>>, vector<1x400x8xf32>,
    %slice3A_209 = vector.extract_strided_slice %mul3A_13 {offsets = [0, 224], sizes = [400, 8], strides = [1, 1]} : vector<400x256xf32> to vector<400x8xf32>
    %swap3A_210 = arith.constant 28 : index
    %swap3A_211 = arith.constant 0 : index
    %swap3A_212 = arith.constant 0 : index
    %swap3A_213 = vector.load %arg4[%swap3A_210, %swap3A_211, %swap3A_212] : memref<32x400x8xf32, #tpu.memory_space<vmem>>, vector<1x400x8xf32>
    %swap3A_214 = vector.shape_cast %swap3A_213 : vector<1x400x8xf32> to vector<400x8xf32>
    %swap3A_215 = vector.shape_cast %slice3A_209 : vector<400x8xf32> to vector<1x400x8xf32>
    tpu.vector_store %arg4[%swap3A_210, %swap3A_211, %swap3A_212], %swap3A_215 {strides = array<i32>} : memref<32x400x8xf32, #tpu.memory_space<vmem>>, vector<1x400x8xf32>,
    %slice3A_216 = vector.extract_strided_slice %mul3A_13 {offsets = [0, 232], sizes = [400, 8], strides = [1, 1]} : vector<400x256xf32> to vector<400x8xf32>
    %swap3A_217 = arith.constant 29 : index
    %swap3A_218 = arith.constant 0 : index
    %swap3A_219 = arith.constant 0 : index
    %swap3A_220 = vector.load %arg4[%swap3A_217, %swap3A_218, %swap3A_219] : memref<32x400x8xf32, #tpu.memory_space<vmem>>, vector<1x400x8xf32>
    %swap3A_221 = vector.shape_cast %swap3A_220 : vector<1x400x8xf32> to vector<400x8xf32>
    %swap3A_222 = vector.shape_cast %slice3A_216 : vector<400x8xf32> to vector<1x400x8xf32>
    tpu.vector_store %arg4[%swap3A_217, %swap3A_218, %swap3A_219], %swap3A_222 {strides = array<i32>} : memref<32x400x8xf32, #tpu.memory_space<vmem>>, vector<1x400x8xf32>,
    %slice3A_223 = vector.extract_strided_slice %mul3A_13 {offsets = [0, 240], sizes = [400, 8], strides = [1, 1]} : vector<400x256xf32> to vector<400x8xf32>
    %swap3A_224 = arith.constant 30 : index
    %swap3A_225 = arith.constant 0 : index
    %swap3A_226 = arith.constant 0 : index
    %swap3A_227 = vector.load %arg4[%swap3A_224, %swap3A_225, %swap3A_226] : memref<32x400x8xf32, #tpu.memory_space<vmem>>, vector<1x400x8xf32>
    %swap3A_228 = vector.shape_cast %swap3A_227 : vector<1x400x8xf32> to vector<400x8xf32>
    %swap3A_229 = vector.shape_cast %slice3A_223 : vector<400x8xf32> to vector<1x400x8xf32>
    tpu.vector_store %arg4[%swap3A_224, %swap3A_225, %swap3A_226], %swap3A_229 {strides = array<i32>} : memref<32x400x8xf32, #tpu.memory_space<vmem>>, vector<1x400x8xf32>,
    %slice3A_230 = vector.extract_strided_slice %mul3A_13 {offsets = [0, 248], sizes = [400, 8], strides = [1, 1]} : vector<400x256xf32> to vector<400x8xf32>
    %swap3A_231 = arith.constant 31 : index
    %swap3A_232 = arith.constant 0 : index
    %swap3A_233 = arith.constant 0 : index
    %swap3A_234 = vector.load %arg4[%swap3A_231, %swap3A_232, %swap3A_233] : memref<32x400x8xf32, #tpu.memory_space<vmem>>, vector<1x400x8xf32>
    %swap3A_235 = vector.shape_cast %swap3A_234 : vector<1x400x8xf32> to vector<400x8xf32>
    %swap3A_236 = vector.shape_cast %slice3A_230 : vector<400x8xf32> to vector<1x400x8xf32>
    tpu.vector_store %arg4[%swap3A_231, %swap3A_232, %swap3A_233], %swap3A_236 {strides = array<i32>} : memref<32x400x8xf32, #tpu.memory_space<vmem>>, vector<1x400x8xf32>,
    return
  }
  func.func @transform_0(%arg0: i32) -> (i32, i32) {
    %c0_i32 = arith.constant 0 : i32
    %c0_i32_0 = arith.constant 0 : i32
    return %arg0, %c0_i32 : i32, i32
  }
  func.func @transform_1(%arg0: i32) -> (i32, i32) {
    %c0_i32 = arith.constant 0 : i32
    %c0_i32_0 = arith.constant 0 : i32
    %c0_i32_1 = arith.constant 0 : i32
    return %c0_i32, %c0_i32_0 : i32, i32
  }
  func.func @transform_2(%arg0: i32) -> (i32, i32, i32) {
    %c0_i32 = arith.constant 0 : i32
    %c0_i32_0 = arith.constant 0 : i32
    %c0_i32_1 = arith.constant 0 : i32
    return %c0_i32, %arg0, %c0_i32_0 : i32, i32, i32
  }
  func.func @transform_3(%arg0: i32) -> (i32, i32, i32) {
    %c0_i32 = arith.constant 0 : i32
    %c0_i32_0 = arith.constant 0 : i32
    %c0_i32_1 = arith.constant 0 : i32
    return %c0_i32, %arg0, %c0_i32_0 : i32, i32, i32
  }
}

module attributes {stable_mosaic.version = 14 : i64} {
  func.func @out_body(%arg0: i32, %arg1: memref<32x400x8xf32, #tpu.memory_space<vmem>>, %arg2: memref<32x400x8xf32, #tpu.memory_space<vmem>>, %arg3: memref<400x256xf32, #tpu.memory_space<vmem>>) attributes {dimension_semantics = [#tpu.dimension_semantics<arbitrary>], iteration_bounds = array<i64: 25>, scalar_prefetch = 0 : i64, scratch_operands = 0 : i64, tpu.core_type = #tpu.core_type<tc>, window_params = [{transform_indices = @transform_0, window_bounds = array<i64: 32, 400, 8>}, {transform_indices = @transform_1, window_bounds = array<i64: 32, 400, 8>}, {transform_indices = @transform_2, window_bounds = array<i64: 400, 256>}]} {
    %get3A = arith.constant 0 : index
    %get3A_0 = arith.constant 0 : index
    %get3A_1 = arith.constant 0 : index
    %get3A_2 = vector.load %arg2[%get3A, %get3A_0, %get3A_1] : memref<32x400x8xf32, #tpu.memory_space<vmem>>, vector<32x400x8xf32>
    %reduce_sum3A = arith.constant dense<0.000000e+00> : vector<400x8xf32>
    %reduce_sum3A_3 = vector.multi_reduction <add>, %get3A_2, %reduce_sum3A [0] : vector<32x400x8xf32> to vector<400x8xf32>
    %slice3A = vector.extract_strided_slice %reduce_sum3A_3 {offsets = [0, 0], sizes = [400, 1], strides = [1, 1]} : vector<400x8xf32> to vector<400x1xf32>
    %add3A = arith.constant 1.000000e+00 : f32
    %add3A_4 = vector.broadcast %add3A : f32 to vector<400x1xf32>
    %add3A_5 = arith.addf %slice3A, %add3A_4 : vector<400x1xf32>
    %rsqrt3A = math.rsqrt %add3A_5 : vector<400x1xf32>
    %get3A_6 = arith.constant 0 : index
    %get3A_7 = arith.constant 0 : index
    %get3A_8 = arith.constant 0 : index
    %get3A_9 = vector.load %arg1[%get3A_6, %get3A_7, %get3A_8] : memref<32x400x8xf32, #tpu.memory_space<vmem>>, vector<1x400x8xf32>
    %get3A_10 = vector.shape_cast %get3A_9 : vector<1x400x8xf32> to vector<400x8xf32>
    %mul3A = vector.broadcast %rsqrt3A : vector<400x1xf32> to vector<400x8xf32>
    %mul3A_11 = arith.mulf %get3A_10, %mul3A : vector<400x8xf32>
    %swap3A = arith.constant 0 : index
    %swap3A_12 = arith.constant 0 : index
    %swap3A_13 = vector.load %arg3[%swap3A, %swap3A_12] : memref<400x256xf32, #tpu.memory_space<vmem>>, vector<400x8xf32>
    tpu.vector_store %arg3[%swap3A, %swap3A_12], %mul3A_11 {strides = array<i32>} : memref<400x256xf32, #tpu.memory_space<vmem>>, vector<400x8xf32>,
    %get3A_14 = arith.constant 1 : index
    %get3A_15 = arith.constant 0 : index
    %get3A_16 = arith.constant 0 : index
    %get3A_17 = vector.load %arg1[%get3A_14, %get3A_15, %get3A_16] : memref<32x400x8xf32, #tpu.memory_space<vmem>>, vector<1x400x8xf32>
    %get3A_18 = vector.shape_cast %get3A_17 : vector<1x400x8xf32> to vector<400x8xf32>
    %mul3A_19 = vector.broadcast %rsqrt3A : vector<400x1xf32> to vector<400x8xf32>
    %mul3A_20 = arith.mulf %get3A_18, %mul3A_19 : vector<400x8xf32>
    %swap3A_21 = arith.constant 0 : index
    %swap3A_22 = arith.constant 8 : index
    %swap3A_23 = vector.load %arg3[%swap3A_21, %swap3A_22] : memref<400x256xf32, #tpu.memory_space<vmem>>, vector<400x8xf32>
    tpu.vector_store %arg3[%swap3A_21, %swap3A_22], %mul3A_20 {strides = array<i32>} : memref<400x256xf32, #tpu.memory_space<vmem>>, vector<400x8xf32>,
    %get3A_24 = arith.constant 2 : index
    %get3A_25 = arith.constant 0 : index
    %get3A_26 = arith.constant 0 : index
    %get3A_27 = vector.load %arg1[%get3A_24, %get3A_25, %get3A_26] : memref<32x400x8xf32, #tpu.memory_space<vmem>>, vector<1x400x8xf32>
    %get3A_28 = vector.shape_cast %get3A_27 : vector<1x400x8xf32> to vector<400x8xf32>
    %mul3A_29 = vector.broadcast %rsqrt3A : vector<400x1xf32> to vector<400x8xf32>
    %mul3A_30 = arith.mulf %get3A_28, %mul3A_29 : vector<400x8xf32>
    %swap3A_31 = arith.constant 0 : index
    %swap3A_32 = arith.constant 16 : index
    %swap3A_33 = vector.load %arg3[%swap3A_31, %swap3A_32] : memref<400x256xf32, #tpu.memory_space<vmem>>, vector<400x8xf32>
    tpu.vector_store %arg3[%swap3A_31, %swap3A_32], %mul3A_30 {strides = array<i32>} : memref<400x256xf32, #tpu.memory_space<vmem>>, vector<400x8xf32>,
    %get3A_34 = arith.constant 3 : index
    %get3A_35 = arith.constant 0 : index
    %get3A_36 = arith.constant 0 : index
    %get3A_37 = vector.load %arg1[%get3A_34, %get3A_35, %get3A_36] : memref<32x400x8xf32, #tpu.memory_space<vmem>>, vector<1x400x8xf32>
    %get3A_38 = vector.shape_cast %get3A_37 : vector<1x400x8xf32> to vector<400x8xf32>
    %mul3A_39 = vector.broadcast %rsqrt3A : vector<400x1xf32> to vector<400x8xf32>
    %mul3A_40 = arith.mulf %get3A_38, %mul3A_39 : vector<400x8xf32>
    %swap3A_41 = arith.constant 0 : index
    %swap3A_42 = arith.constant 24 : index
    %swap3A_43 = vector.load %arg3[%swap3A_41, %swap3A_42] : memref<400x256xf32, #tpu.memory_space<vmem>>, vector<400x8xf32>
    tpu.vector_store %arg3[%swap3A_41, %swap3A_42], %mul3A_40 {strides = array<i32>} : memref<400x256xf32, #tpu.memory_space<vmem>>, vector<400x8xf32>,
    %get3A_44 = arith.constant 4 : index
    %get3A_45 = arith.constant 0 : index
    %get3A_46 = arith.constant 0 : index
    %get3A_47 = vector.load %arg1[%get3A_44, %get3A_45, %get3A_46] : memref<32x400x8xf32, #tpu.memory_space<vmem>>, vector<1x400x8xf32>
    %get3A_48 = vector.shape_cast %get3A_47 : vector<1x400x8xf32> to vector<400x8xf32>
    %mul3A_49 = vector.broadcast %rsqrt3A : vector<400x1xf32> to vector<400x8xf32>
    %mul3A_50 = arith.mulf %get3A_48, %mul3A_49 : vector<400x8xf32>
    %swap3A_51 = arith.constant 0 : index
    %swap3A_52 = arith.constant 32 : index
    %swap3A_53 = vector.load %arg3[%swap3A_51, %swap3A_52] : memref<400x256xf32, #tpu.memory_space<vmem>>, vector<400x8xf32>
    tpu.vector_store %arg3[%swap3A_51, %swap3A_52], %mul3A_50 {strides = array<i32>} : memref<400x256xf32, #tpu.memory_space<vmem>>, vector<400x8xf32>,
    %get3A_54 = arith.constant 5 : index
    %get3A_55 = arith.constant 0 : index
    %get3A_56 = arith.constant 0 : index
    %get3A_57 = vector.load %arg1[%get3A_54, %get3A_55, %get3A_56] : memref<32x400x8xf32, #tpu.memory_space<vmem>>, vector<1x400x8xf32>
    %get3A_58 = vector.shape_cast %get3A_57 : vector<1x400x8xf32> to vector<400x8xf32>
    %mul3A_59 = vector.broadcast %rsqrt3A : vector<400x1xf32> to vector<400x8xf32>
    %mul3A_60 = arith.mulf %get3A_58, %mul3A_59 : vector<400x8xf32>
    %swap3A_61 = arith.constant 0 : index
    %swap3A_62 = arith.constant 40 : index
    %swap3A_63 = vector.load %arg3[%swap3A_61, %swap3A_62] : memref<400x256xf32, #tpu.memory_space<vmem>>, vector<400x8xf32>
    tpu.vector_store %arg3[%swap3A_61, %swap3A_62], %mul3A_60 {strides = array<i32>} : memref<400x256xf32, #tpu.memory_space<vmem>>, vector<400x8xf32>,
    %get3A_64 = arith.constant 6 : index
    %get3A_65 = arith.constant 0 : index
    %get3A_66 = arith.constant 0 : index
    %get3A_67 = vector.load %arg1[%get3A_64, %get3A_65, %get3A_66] : memref<32x400x8xf32, #tpu.memory_space<vmem>>, vector<1x400x8xf32>
    %get3A_68 = vector.shape_cast %get3A_67 : vector<1x400x8xf32> to vector<400x8xf32>
    %mul3A_69 = vector.broadcast %rsqrt3A : vector<400x1xf32> to vector<400x8xf32>
    %mul3A_70 = arith.mulf %get3A_68, %mul3A_69 : vector<400x8xf32>
    %swap3A_71 = arith.constant 0 : index
    %swap3A_72 = arith.constant 48 : index
    %swap3A_73 = vector.load %arg3[%swap3A_71, %swap3A_72] : memref<400x256xf32, #tpu.memory_space<vmem>>, vector<400x8xf32>
    tpu.vector_store %arg3[%swap3A_71, %swap3A_72], %mul3A_70 {strides = array<i32>} : memref<400x256xf32, #tpu.memory_space<vmem>>, vector<400x8xf32>,
    %get3A_74 = arith.constant 7 : index
    %get3A_75 = arith.constant 0 : index
    %get3A_76 = arith.constant 0 : index
    %get3A_77 = vector.load %arg1[%get3A_74, %get3A_75, %get3A_76] : memref<32x400x8xf32, #tpu.memory_space<vmem>>, vector<1x400x8xf32>
    %get3A_78 = vector.shape_cast %get3A_77 : vector<1x400x8xf32> to vector<400x8xf32>
    %mul3A_79 = vector.broadcast %rsqrt3A : vector<400x1xf32> to vector<400x8xf32>
    %mul3A_80 = arith.mulf %get3A_78, %mul3A_79 : vector<400x8xf32>
    %swap3A_81 = arith.constant 0 : index
    %swap3A_82 = arith.constant 56 : index
    %swap3A_83 = vector.load %arg3[%swap3A_81, %swap3A_82] : memref<400x256xf32, #tpu.memory_space<vmem>>, vector<400x8xf32>
    tpu.vector_store %arg3[%swap3A_81, %swap3A_82], %mul3A_80 {strides = array<i32>} : memref<400x256xf32, #tpu.memory_space<vmem>>, vector<400x8xf32>,
    %get3A_84 = arith.constant 8 : index
    %get3A_85 = arith.constant 0 : index
    %get3A_86 = arith.constant 0 : index
    %get3A_87 = vector.load %arg1[%get3A_84, %get3A_85, %get3A_86] : memref<32x400x8xf32, #tpu.memory_space<vmem>>, vector<1x400x8xf32>
    %get3A_88 = vector.shape_cast %get3A_87 : vector<1x400x8xf32> to vector<400x8xf32>
    %mul3A_89 = vector.broadcast %rsqrt3A : vector<400x1xf32> to vector<400x8xf32>
    %mul3A_90 = arith.mulf %get3A_88, %mul3A_89 : vector<400x8xf32>
    %swap3A_91 = arith.constant 0 : index
    %swap3A_92 = arith.constant 64 : index
    %swap3A_93 = vector.load %arg3[%swap3A_91, %swap3A_92] : memref<400x256xf32, #tpu.memory_space<vmem>>, vector<400x8xf32>
    tpu.vector_store %arg3[%swap3A_91, %swap3A_92], %mul3A_90 {strides = array<i32>} : memref<400x256xf32, #tpu.memory_space<vmem>>, vector<400x8xf32>,
    %get3A_94 = arith.constant 9 : index
    %get3A_95 = arith.constant 0 : index
    %get3A_96 = arith.constant 0 : index
    %get3A_97 = vector.load %arg1[%get3A_94, %get3A_95, %get3A_96] : memref<32x400x8xf32, #tpu.memory_space<vmem>>, vector<1x400x8xf32>
    %get3A_98 = vector.shape_cast %get3A_97 : vector<1x400x8xf32> to vector<400x8xf32>
    %mul3A_99 = vector.broadcast %rsqrt3A : vector<400x1xf32> to vector<400x8xf32>
    %mul3A_100 = arith.mulf %get3A_98, %mul3A_99 : vector<400x8xf32>
    %swap3A_101 = arith.constant 0 : index
    %swap3A_102 = arith.constant 72 : index
    %swap3A_103 = vector.load %arg3[%swap3A_101, %swap3A_102] : memref<400x256xf32, #tpu.memory_space<vmem>>, vector<400x8xf32>
    tpu.vector_store %arg3[%swap3A_101, %swap3A_102], %mul3A_100 {strides = array<i32>} : memref<400x256xf32, #tpu.memory_space<vmem>>, vector<400x8xf32>,
    %get3A_104 = arith.constant 10 : index
    %get3A_105 = arith.constant 0 : index
    %get3A_106 = arith.constant 0 : index
    %get3A_107 = vector.load %arg1[%get3A_104, %get3A_105, %get3A_106] : memref<32x400x8xf32, #tpu.memory_space<vmem>>, vector<1x400x8xf32>
    %get3A_108 = vector.shape_cast %get3A_107 : vector<1x400x8xf32> to vector<400x8xf32>
    %mul3A_109 = vector.broadcast %rsqrt3A : vector<400x1xf32> to vector<400x8xf32>
    %mul3A_110 = arith.mulf %get3A_108, %mul3A_109 : vector<400x8xf32>
    %swap3A_111 = arith.constant 0 : index
    %swap3A_112 = arith.constant 80 : index
    %swap3A_113 = vector.load %arg3[%swap3A_111, %swap3A_112] : memref<400x256xf32, #tpu.memory_space<vmem>>, vector<400x8xf32>
    tpu.vector_store %arg3[%swap3A_111, %swap3A_112], %mul3A_110 {strides = array<i32>} : memref<400x256xf32, #tpu.memory_space<vmem>>, vector<400x8xf32>,
    %get3A_114 = arith.constant 11 : index
    %get3A_115 = arith.constant 0 : index
    %get3A_116 = arith.constant 0 : index
    %get3A_117 = vector.load %arg1[%get3A_114, %get3A_115, %get3A_116] : memref<32x400x8xf32, #tpu.memory_space<vmem>>, vector<1x400x8xf32>
    %get3A_118 = vector.shape_cast %get3A_117 : vector<1x400x8xf32> to vector<400x8xf32>
    %mul3A_119 = vector.broadcast %rsqrt3A : vector<400x1xf32> to vector<400x8xf32>
    %mul3A_120 = arith.mulf %get3A_118, %mul3A_119 : vector<400x8xf32>
    %swap3A_121 = arith.constant 0 : index
    %swap3A_122 = arith.constant 88 : index
    %swap3A_123 = vector.load %arg3[%swap3A_121, %swap3A_122] : memref<400x256xf32, #tpu.memory_space<vmem>>, vector<400x8xf32>
    tpu.vector_store %arg3[%swap3A_121, %swap3A_122], %mul3A_120 {strides = array<i32>} : memref<400x256xf32, #tpu.memory_space<vmem>>, vector<400x8xf32>,
    %get3A_124 = arith.constant 12 : index
    %get3A_125 = arith.constant 0 : index
    %get3A_126 = arith.constant 0 : index
    %get3A_127 = vector.load %arg1[%get3A_124, %get3A_125, %get3A_126] : memref<32x400x8xf32, #tpu.memory_space<vmem>>, vector<1x400x8xf32>
    %get3A_128 = vector.shape_cast %get3A_127 : vector<1x400x8xf32> to vector<400x8xf32>
    %mul3A_129 = vector.broadcast %rsqrt3A : vector<400x1xf32> to vector<400x8xf32>
    %mul3A_130 = arith.mulf %get3A_128, %mul3A_129 : vector<400x8xf32>
    %swap3A_131 = arith.constant 0 : index
    %swap3A_132 = arith.constant 96 : index
    %swap3A_133 = vector.load %arg3[%swap3A_131, %swap3A_132] : memref<400x256xf32, #tpu.memory_space<vmem>>, vector<400x8xf32>
    tpu.vector_store %arg3[%swap3A_131, %swap3A_132], %mul3A_130 {strides = array<i32>} : memref<400x256xf32, #tpu.memory_space<vmem>>, vector<400x8xf32>,
    %get3A_134 = arith.constant 13 : index
    %get3A_135 = arith.constant 0 : index
    %get3A_136 = arith.constant 0 : index
    %get3A_137 = vector.load %arg1[%get3A_134, %get3A_135, %get3A_136] : memref<32x400x8xf32, #tpu.memory_space<vmem>>, vector<1x400x8xf32>
    %get3A_138 = vector.shape_cast %get3A_137 : vector<1x400x8xf32> to vector<400x8xf32>
    %mul3A_139 = vector.broadcast %rsqrt3A : vector<400x1xf32> to vector<400x8xf32>
    %mul3A_140 = arith.mulf %get3A_138, %mul3A_139 : vector<400x8xf32>
    %swap3A_141 = arith.constant 0 : index
    %swap3A_142 = arith.constant 104 : index
    %swap3A_143 = vector.load %arg3[%swap3A_141, %swap3A_142] : memref<400x256xf32, #tpu.memory_space<vmem>>, vector<400x8xf32>
    tpu.vector_store %arg3[%swap3A_141, %swap3A_142], %mul3A_140 {strides = array<i32>} : memref<400x256xf32, #tpu.memory_space<vmem>>, vector<400x8xf32>,
    %get3A_144 = arith.constant 14 : index
    %get3A_145 = arith.constant 0 : index
    %get3A_146 = arith.constant 0 : index
    %get3A_147 = vector.load %arg1[%get3A_144, %get3A_145, %get3A_146] : memref<32x400x8xf32, #tpu.memory_space<vmem>>, vector<1x400x8xf32>
    %get3A_148 = vector.shape_cast %get3A_147 : vector<1x400x8xf32> to vector<400x8xf32>
    %mul3A_149 = vector.broadcast %rsqrt3A : vector<400x1xf32> to vector<400x8xf32>
    %mul3A_150 = arith.mulf %get3A_148, %mul3A_149 : vector<400x8xf32>
    %swap3A_151 = arith.constant 0 : index
    %swap3A_152 = arith.constant 112 : index
    %swap3A_153 = vector.load %arg3[%swap3A_151, %swap3A_152] : memref<400x256xf32, #tpu.memory_space<vmem>>, vector<400x8xf32>
    tpu.vector_store %arg3[%swap3A_151, %swap3A_152], %mul3A_150 {strides = array<i32>} : memref<400x256xf32, #tpu.memory_space<vmem>>, vector<400x8xf32>,
    %get3A_154 = arith.constant 15 : index
    %get3A_155 = arith.constant 0 : index
    %get3A_156 = arith.constant 0 : index
    %get3A_157 = vector.load %arg1[%get3A_154, %get3A_155, %get3A_156] : memref<32x400x8xf32, #tpu.memory_space<vmem>>, vector<1x400x8xf32>
    %get3A_158 = vector.shape_cast %get3A_157 : vector<1x400x8xf32> to vector<400x8xf32>
    %mul3A_159 = vector.broadcast %rsqrt3A : vector<400x1xf32> to vector<400x8xf32>
    %mul3A_160 = arith.mulf %get3A_158, %mul3A_159 : vector<400x8xf32>
    %swap3A_161 = arith.constant 0 : index
    %swap3A_162 = arith.constant 120 : index
    %swap3A_163 = vector.load %arg3[%swap3A_161, %swap3A_162] : memref<400x256xf32, #tpu.memory_space<vmem>>, vector<400x8xf32>
    tpu.vector_store %arg3[%swap3A_161, %swap3A_162], %mul3A_160 {strides = array<i32>} : memref<400x256xf32, #tpu.memory_space<vmem>>, vector<400x8xf32>,
    %get3A_164 = arith.constant 16 : index
    %get3A_165 = arith.constant 0 : index
    %get3A_166 = arith.constant 0 : index
    %get3A_167 = vector.load %arg1[%get3A_164, %get3A_165, %get3A_166] : memref<32x400x8xf32, #tpu.memory_space<vmem>>, vector<1x400x8xf32>
    %get3A_168 = vector.shape_cast %get3A_167 : vector<1x400x8xf32> to vector<400x8xf32>
    %mul3A_169 = vector.broadcast %rsqrt3A : vector<400x1xf32> to vector<400x8xf32>
    %mul3A_170 = arith.mulf %get3A_168, %mul3A_169 : vector<400x8xf32>
    %swap3A_171 = arith.constant 0 : index
    %swap3A_172 = arith.constant 128 : index
    %swap3A_173 = vector.load %arg3[%swap3A_171, %swap3A_172] : memref<400x256xf32, #tpu.memory_space<vmem>>, vector<400x8xf32>
    tpu.vector_store %arg3[%swap3A_171, %swap3A_172], %mul3A_170 {strides = array<i32>} : memref<400x256xf32, #tpu.memory_space<vmem>>, vector<400x8xf32>,
    %get3A_174 = arith.constant 17 : index
    %get3A_175 = arith.constant 0 : index
    %get3A_176 = arith.constant 0 : index
    %get3A_177 = vector.load %arg1[%get3A_174, %get3A_175, %get3A_176] : memref<32x400x8xf32, #tpu.memory_space<vmem>>, vector<1x400x8xf32>
    %get3A_178 = vector.shape_cast %get3A_177 : vector<1x400x8xf32> to vector<400x8xf32>
    %mul3A_179 = vector.broadcast %rsqrt3A : vector<400x1xf32> to vector<400x8xf32>
    %mul3A_180 = arith.mulf %get3A_178, %mul3A_179 : vector<400x8xf32>
    %swap3A_181 = arith.constant 0 : index
    %swap3A_182 = arith.constant 136 : index
    %swap3A_183 = vector.load %arg3[%swap3A_181, %swap3A_182] : memref<400x256xf32, #tpu.memory_space<vmem>>, vector<400x8xf32>
    tpu.vector_store %arg3[%swap3A_181, %swap3A_182], %mul3A_180 {strides = array<i32>} : memref<400x256xf32, #tpu.memory_space<vmem>>, vector<400x8xf32>,
    %get3A_184 = arith.constant 18 : index
    %get3A_185 = arith.constant 0 : index
    %get3A_186 = arith.constant 0 : index
    %get3A_187 = vector.load %arg1[%get3A_184, %get3A_185, %get3A_186] : memref<32x400x8xf32, #tpu.memory_space<vmem>>, vector<1x400x8xf32>
    %get3A_188 = vector.shape_cast %get3A_187 : vector<1x400x8xf32> to vector<400x8xf32>
    %mul3A_189 = vector.broadcast %rsqrt3A : vector<400x1xf32> to vector<400x8xf32>
    %mul3A_190 = arith.mulf %get3A_188, %mul3A_189 : vector<400x8xf32>
    %swap3A_191 = arith.constant 0 : index
    %swap3A_192 = arith.constant 144 : index
    %swap3A_193 = vector.load %arg3[%swap3A_191, %swap3A_192] : memref<400x256xf32, #tpu.memory_space<vmem>>, vector<400x8xf32>
    tpu.vector_store %arg3[%swap3A_191, %swap3A_192], %mul3A_190 {strides = array<i32>} : memref<400x256xf32, #tpu.memory_space<vmem>>, vector<400x8xf32>,
    %get3A_194 = arith.constant 19 : index
    %get3A_195 = arith.constant 0 : index
    %get3A_196 = arith.constant 0 : index
    %get3A_197 = vector.load %arg1[%get3A_194, %get3A_195, %get3A_196] : memref<32x400x8xf32, #tpu.memory_space<vmem>>, vector<1x400x8xf32>
    %get3A_198 = vector.shape_cast %get3A_197 : vector<1x400x8xf32> to vector<400x8xf32>
    %mul3A_199 = vector.broadcast %rsqrt3A : vector<400x1xf32> to vector<400x8xf32>
    %mul3A_200 = arith.mulf %get3A_198, %mul3A_199 : vector<400x8xf32>
    %swap3A_201 = arith.constant 0 : index
    %swap3A_202 = arith.constant 152 : index
    %swap3A_203 = vector.load %arg3[%swap3A_201, %swap3A_202] : memref<400x256xf32, #tpu.memory_space<vmem>>, vector<400x8xf32>
    tpu.vector_store %arg3[%swap3A_201, %swap3A_202], %mul3A_200 {strides = array<i32>} : memref<400x256xf32, #tpu.memory_space<vmem>>, vector<400x8xf32>,
    %get3A_204 = arith.constant 20 : index
    %get3A_205 = arith.constant 0 : index
    %get3A_206 = arith.constant 0 : index
    %get3A_207 = vector.load %arg1[%get3A_204, %get3A_205, %get3A_206] : memref<32x400x8xf32, #tpu.memory_space<vmem>>, vector<1x400x8xf32>
    %get3A_208 = vector.shape_cast %get3A_207 : vector<1x400x8xf32> to vector<400x8xf32>
    %mul3A_209 = vector.broadcast %rsqrt3A : vector<400x1xf32> to vector<400x8xf32>
    %mul3A_210 = arith.mulf %get3A_208, %mul3A_209 : vector<400x8xf32>
    %swap3A_211 = arith.constant 0 : index
    %swap3A_212 = arith.constant 160 : index
    %swap3A_213 = vector.load %arg3[%swap3A_211, %swap3A_212] : memref<400x256xf32, #tpu.memory_space<vmem>>, vector<400x8xf32>
    tpu.vector_store %arg3[%swap3A_211, %swap3A_212], %mul3A_210 {strides = array<i32>} : memref<400x256xf32, #tpu.memory_space<vmem>>, vector<400x8xf32>,
    %get3A_214 = arith.constant 21 : index
    %get3A_215 = arith.constant 0 : index
    %get3A_216 = arith.constant 0 : index
    %get3A_217 = vector.load %arg1[%get3A_214, %get3A_215, %get3A_216] : memref<32x400x8xf32, #tpu.memory_space<vmem>>, vector<1x400x8xf32>
    %get3A_218 = vector.shape_cast %get3A_217 : vector<1x400x8xf32> to vector<400x8xf32>
    %mul3A_219 = vector.broadcast %rsqrt3A : vector<400x1xf32> to vector<400x8xf32>
    %mul3A_220 = arith.mulf %get3A_218, %mul3A_219 : vector<400x8xf32>
    %swap3A_221 = arith.constant 0 : index
    %swap3A_222 = arith.constant 168 : index
    %swap3A_223 = vector.load %arg3[%swap3A_221, %swap3A_222] : memref<400x256xf32, #tpu.memory_space<vmem>>, vector<400x8xf32>
    tpu.vector_store %arg3[%swap3A_221, %swap3A_222], %mul3A_220 {strides = array<i32>} : memref<400x256xf32, #tpu.memory_space<vmem>>, vector<400x8xf32>,
    %get3A_224 = arith.constant 22 : index
    %get3A_225 = arith.constant 0 : index
    %get3A_226 = arith.constant 0 : index
    %get3A_227 = vector.load %arg1[%get3A_224, %get3A_225, %get3A_226] : memref<32x400x8xf32, #tpu.memory_space<vmem>>, vector<1x400x8xf32>
    %get3A_228 = vector.shape_cast %get3A_227 : vector<1x400x8xf32> to vector<400x8xf32>
    %mul3A_229 = vector.broadcast %rsqrt3A : vector<400x1xf32> to vector<400x8xf32>
    %mul3A_230 = arith.mulf %get3A_228, %mul3A_229 : vector<400x8xf32>
    %swap3A_231 = arith.constant 0 : index
    %swap3A_232 = arith.constant 176 : index
    %swap3A_233 = vector.load %arg3[%swap3A_231, %swap3A_232] : memref<400x256xf32, #tpu.memory_space<vmem>>, vector<400x8xf32>
    tpu.vector_store %arg3[%swap3A_231, %swap3A_232], %mul3A_230 {strides = array<i32>} : memref<400x256xf32, #tpu.memory_space<vmem>>, vector<400x8xf32>,
    %get3A_234 = arith.constant 23 : index
    %get3A_235 = arith.constant 0 : index
    %get3A_236 = arith.constant 0 : index
    %get3A_237 = vector.load %arg1[%get3A_234, %get3A_235, %get3A_236] : memref<32x400x8xf32, #tpu.memory_space<vmem>>, vector<1x400x8xf32>
    %get3A_238 = vector.shape_cast %get3A_237 : vector<1x400x8xf32> to vector<400x8xf32>
    %mul3A_239 = vector.broadcast %rsqrt3A : vector<400x1xf32> to vector<400x8xf32>
    %mul3A_240 = arith.mulf %get3A_238, %mul3A_239 : vector<400x8xf32>
    %swap3A_241 = arith.constant 0 : index
    %swap3A_242 = arith.constant 184 : index
    %swap3A_243 = vector.load %arg3[%swap3A_241, %swap3A_242] : memref<400x256xf32, #tpu.memory_space<vmem>>, vector<400x8xf32>
    tpu.vector_store %arg3[%swap3A_241, %swap3A_242], %mul3A_240 {strides = array<i32>} : memref<400x256xf32, #tpu.memory_space<vmem>>, vector<400x8xf32>,
    %get3A_244 = arith.constant 24 : index
    %get3A_245 = arith.constant 0 : index
    %get3A_246 = arith.constant 0 : index
    %get3A_247 = vector.load %arg1[%get3A_244, %get3A_245, %get3A_246] : memref<32x400x8xf32, #tpu.memory_space<vmem>>, vector<1x400x8xf32>
    %get3A_248 = vector.shape_cast %get3A_247 : vector<1x400x8xf32> to vector<400x8xf32>
    %mul3A_249 = vector.broadcast %rsqrt3A : vector<400x1xf32> to vector<400x8xf32>
    %mul3A_250 = arith.mulf %get3A_248, %mul3A_249 : vector<400x8xf32>
    %swap3A_251 = arith.constant 0 : index
    %swap3A_252 = arith.constant 192 : index
    %swap3A_253 = vector.load %arg3[%swap3A_251, %swap3A_252] : memref<400x256xf32, #tpu.memory_space<vmem>>, vector<400x8xf32>
    tpu.vector_store %arg3[%swap3A_251, %swap3A_252], %mul3A_250 {strides = array<i32>} : memref<400x256xf32, #tpu.memory_space<vmem>>, vector<400x8xf32>,
    %get3A_254 = arith.constant 25 : index
    %get3A_255 = arith.constant 0 : index
    %get3A_256 = arith.constant 0 : index
    %get3A_257 = vector.load %arg1[%get3A_254, %get3A_255, %get3A_256] : memref<32x400x8xf32, #tpu.memory_space<vmem>>, vector<1x400x8xf32>
    %get3A_258 = vector.shape_cast %get3A_257 : vector<1x400x8xf32> to vector<400x8xf32>
    %mul3A_259 = vector.broadcast %rsqrt3A : vector<400x1xf32> to vector<400x8xf32>
    %mul3A_260 = arith.mulf %get3A_258, %mul3A_259 : vector<400x8xf32>
    %swap3A_261 = arith.constant 0 : index
    %swap3A_262 = arith.constant 200 : index
    %swap3A_263 = vector.load %arg3[%swap3A_261, %swap3A_262] : memref<400x256xf32, #tpu.memory_space<vmem>>, vector<400x8xf32>
    tpu.vector_store %arg3[%swap3A_261, %swap3A_262], %mul3A_260 {strides = array<i32>} : memref<400x256xf32, #tpu.memory_space<vmem>>, vector<400x8xf32>,
    %get3A_264 = arith.constant 26 : index
    %get3A_265 = arith.constant 0 : index
    %get3A_266 = arith.constant 0 : index
    %get3A_267 = vector.load %arg1[%get3A_264, %get3A_265, %get3A_266] : memref<32x400x8xf32, #tpu.memory_space<vmem>>, vector<1x400x8xf32>
    %get3A_268 = vector.shape_cast %get3A_267 : vector<1x400x8xf32> to vector<400x8xf32>
    %mul3A_269 = vector.broadcast %rsqrt3A : vector<400x1xf32> to vector<400x8xf32>
    %mul3A_270 = arith.mulf %get3A_268, %mul3A_269 : vector<400x8xf32>
    %swap3A_271 = arith.constant 0 : index
    %swap3A_272 = arith.constant 208 : index
    %swap3A_273 = vector.load %arg3[%swap3A_271, %swap3A_272] : memref<400x256xf32, #tpu.memory_space<vmem>>, vector<400x8xf32>
    tpu.vector_store %arg3[%swap3A_271, %swap3A_272], %mul3A_270 {strides = array<i32>} : memref<400x256xf32, #tpu.memory_space<vmem>>, vector<400x8xf32>,
    %get3A_274 = arith.constant 27 : index
    %get3A_275 = arith.constant 0 : index
    %get3A_276 = arith.constant 0 : index
    %get3A_277 = vector.load %arg1[%get3A_274, %get3A_275, %get3A_276] : memref<32x400x8xf32, #tpu.memory_space<vmem>>, vector<1x400x8xf32>
    %get3A_278 = vector.shape_cast %get3A_277 : vector<1x400x8xf32> to vector<400x8xf32>
    %mul3A_279 = vector.broadcast %rsqrt3A : vector<400x1xf32> to vector<400x8xf32>
    %mul3A_280 = arith.mulf %get3A_278, %mul3A_279 : vector<400x8xf32>
    %swap3A_281 = arith.constant 0 : index
    %swap3A_282 = arith.constant 216 : index
    %swap3A_283 = vector.load %arg3[%swap3A_281, %swap3A_282] : memref<400x256xf32, #tpu.memory_space<vmem>>, vector<400x8xf32>
    tpu.vector_store %arg3[%swap3A_281, %swap3A_282], %mul3A_280 {strides = array<i32>} : memref<400x256xf32, #tpu.memory_space<vmem>>, vector<400x8xf32>,
    %get3A_284 = arith.constant 28 : index
    %get3A_285 = arith.constant 0 : index
    %get3A_286 = arith.constant 0 : index
    %get3A_287 = vector.load %arg1[%get3A_284, %get3A_285, %get3A_286] : memref<32x400x8xf32, #tpu.memory_space<vmem>>, vector<1x400x8xf32>
    %get3A_288 = vector.shape_cast %get3A_287 : vector<1x400x8xf32> to vector<400x8xf32>
    %mul3A_289 = vector.broadcast %rsqrt3A : vector<400x1xf32> to vector<400x8xf32>
    %mul3A_290 = arith.mulf %get3A_288, %mul3A_289 : vector<400x8xf32>
    %swap3A_291 = arith.constant 0 : index
    %swap3A_292 = arith.constant 224 : index
    %swap3A_293 = vector.load %arg3[%swap3A_291, %swap3A_292] : memref<400x256xf32, #tpu.memory_space<vmem>>, vector<400x8xf32>
    tpu.vector_store %arg3[%swap3A_291, %swap3A_292], %mul3A_290 {strides = array<i32>} : memref<400x256xf32, #tpu.memory_space<vmem>>, vector<400x8xf32>,
    %get3A_294 = arith.constant 29 : index
    %get3A_295 = arith.constant 0 : index
    %get3A_296 = arith.constant 0 : index
    %get3A_297 = vector.load %arg1[%get3A_294, %get3A_295, %get3A_296] : memref<32x400x8xf32, #tpu.memory_space<vmem>>, vector<1x400x8xf32>
    %get3A_298 = vector.shape_cast %get3A_297 : vector<1x400x8xf32> to vector<400x8xf32>
    %mul3A_299 = vector.broadcast %rsqrt3A : vector<400x1xf32> to vector<400x8xf32>
    %mul3A_300 = arith.mulf %get3A_298, %mul3A_299 : vector<400x8xf32>
    %swap3A_301 = arith.constant 0 : index
    %swap3A_302 = arith.constant 232 : index
    %swap3A_303 = vector.load %arg3[%swap3A_301, %swap3A_302] : memref<400x256xf32, #tpu.memory_space<vmem>>, vector<400x8xf32>
    tpu.vector_store %arg3[%swap3A_301, %swap3A_302], %mul3A_300 {strides = array<i32>} : memref<400x256xf32, #tpu.memory_space<vmem>>, vector<400x8xf32>,
    %get3A_304 = arith.constant 30 : index
    %get3A_305 = arith.constant 0 : index
    %get3A_306 = arith.constant 0 : index
    %get3A_307 = vector.load %arg1[%get3A_304, %get3A_305, %get3A_306] : memref<32x400x8xf32, #tpu.memory_space<vmem>>, vector<1x400x8xf32>
    %get3A_308 = vector.shape_cast %get3A_307 : vector<1x400x8xf32> to vector<400x8xf32>
    %mul3A_309 = vector.broadcast %rsqrt3A : vector<400x1xf32> to vector<400x8xf32>
    %mul3A_310 = arith.mulf %get3A_308, %mul3A_309 : vector<400x8xf32>
    %swap3A_311 = arith.constant 0 : index
    %swap3A_312 = arith.constant 240 : index
    %swap3A_313 = vector.load %arg3[%swap3A_311, %swap3A_312] : memref<400x256xf32, #tpu.memory_space<vmem>>, vector<400x8xf32>
    tpu.vector_store %arg3[%swap3A_311, %swap3A_312], %mul3A_310 {strides = array<i32>} : memref<400x256xf32, #tpu.memory_space<vmem>>, vector<400x8xf32>,
    %get3A_314 = arith.constant 31 : index
    %get3A_315 = arith.constant 0 : index
    %get3A_316 = arith.constant 0 : index
    %get3A_317 = vector.load %arg1[%get3A_314, %get3A_315, %get3A_316] : memref<32x400x8xf32, #tpu.memory_space<vmem>>, vector<1x400x8xf32>
    %get3A_318 = vector.shape_cast %get3A_317 : vector<1x400x8xf32> to vector<400x8xf32>
    %mul3A_319 = vector.broadcast %rsqrt3A : vector<400x1xf32> to vector<400x8xf32>
    %mul3A_320 = arith.mulf %get3A_318, %mul3A_319 : vector<400x8xf32>
    %swap3A_321 = arith.constant 0 : index
    %swap3A_322 = arith.constant 248 : index
    %swap3A_323 = vector.load %arg3[%swap3A_321, %swap3A_322] : memref<400x256xf32, #tpu.memory_space<vmem>>, vector<400x8xf32>
    tpu.vector_store %arg3[%swap3A_321, %swap3A_322], %mul3A_320 {strides = array<i32>} : memref<400x256xf32, #tpu.memory_space<vmem>>, vector<400x8xf32>,
    return
  }
  func.func @transform_0(%arg0: i32) -> (i32, i32, i32) {
    %c0_i32 = arith.constant 0 : i32
    %c0_i32_0 = arith.constant 0 : i32
    %c0_i32_1 = arith.constant 0 : i32
    return %c0_i32, %arg0, %c0_i32_0 : i32, i32, i32
  }
  func.func @transform_1(%arg0: i32) -> (i32, i32, i32) {
    %c0_i32 = arith.constant 0 : i32
    %c0_i32_0 = arith.constant 0 : i32
    %c0_i32_1 = arith.constant 0 : i32
    return %c0_i32, %arg0, %c0_i32_0 : i32, i32, i32
  }
  func.func @transform_2(%arg0: i32) -> (i32, i32) {
    %c0_i32 = arith.constant 0 : i32
    %c0_i32_0 = arith.constant 0 : i32
    return %arg0, %c0_i32 : i32, i32
  }
}

</mosaic_0001>

<sc_bundles>
// kernel: kernel.6.cloned.1.call-start
scs
__scs_entry_jumppad:
0x0: {  	(pc) =	sbr.rel $0x88, $3  }
0x1: {  	(tag) =	ssettag $0x0;
	lr =	simm.s32 $0x1  }
0x2: {  	[smem:$0x3F9E] =	sst lr;
	_ =	strace $0xD0000000  }
0x3: {  	_ = 	snop  }
0x4: {  	_ = 	snop  }
0x5: {  	_ = 	snop  }
0x6: {  	_ = 	snop  }
0x7: {  	_ = 	snop  }
__scs_overlays_trampoline_lowered:
0x8: {  	[smem:$0x3FAD] =	sst s0  }
0x9: {  	[smem:$0x3FAE] =	sst s1  }
0xa: {  	[smem:$0x3FAF] =	sst s2  }
0xb: {  	[smem:$0x3FB0] =	sst s3  }
0xc: {  	[smem:$0x3FB1] =	sst s4  }
0xd: {  	[smem:$0x3FB2] =	sst s5  }
0xe: {  	[smem:$0x3FB3] =	sst s6  }
0xf: {  	[smem:$0x3FB4] =	sst s7  }
0x10: {  	[smem:$0x3FB5] =	sst s8  }
0x11: {  	[smem:$0x3FB6] =	sst s9;
	s0 =	simm.s32 @!p0 $0x0  }
0x12: {  	s1 =	sld [smem:$0x3F9C];
	s0 =	simm.s32 @p0 $0x1  }
0x13: {  	[smem:$0x3FB7] =	sst s0;
	s0 =	simm.s32 @!p1 $0x0  }
0x14: {  	s2 =	sld [smem:$0x3F9B];
	s0 =	simm.s32 @p1 $0x1  }
0x15: {  	[smem:$0x3FB8] =	sst s0;
	s0 =	simm.s32 @!p2 $0x0  }
0x16: {  	s3 =	sld [smem:$0x3FDB];
	s0 =	simm.s32 @p2 $0x1  }
0x17: {  	s4 =	simm.s32 $0x1BF5;
	[smem:$0x3FBA] =	sst s0  }
0x18: {  	s0 =	sld [smem:$0x3F9D];
	_ =	swait.ge [sflag:s4], $0x0  }
0x19: {  	s7 =	sld [smem:$0x3F9E]  }
0x1a: {  	s8 =	sadd.s32 $0xFFFFE003, lr  }
0x1b: {  	s9 =	sadd.s32 $0xFFFFFEF7, lr;
	s5 =	simm.s32 $0xFFFFFFFF;
	p2 =	slt.u32 s8, $0xFFFFF086  }
0x1c: {  	p1 =	slt.u32 s9, $0xF7A;
	s5 =	simm.s32 @!p2 $0x0  }
0x1d: {  	s5 =	simm.s32 @p1 $0x1;
	p0 =	seq.s32 s7, s2  }
0x1e: {  	s7 =	smul.u32 @!p0 $0xF7A, s2;
	p2 =	seq.s32 @!p0 s5, $0x0  }
0x1f: {  	s9 =	smul.u32 $0xF7A, s1;
	s8 =	simm.s32 @!p0 $0x1BF5;
	p2 =	por !p2, p0  }
0x20: {  	[sflag:s8] =	ssyncset.s32 @!p0 $0xFFFFF086;
	s6 =	sadd.s32 @!p0 s3, s7;
	s7 =	simm.s32 @!p0 $0x108  }
0x21: {  	s3 =	sadd.s32 s3, s9;
	s6 =	sadd.s32 @!p0 $0x88, s6;
	s7 =	simm.s32 @p2 $0x1082  }
0x22: {  	[simem:s7], [sflag:s8] =	dma.local @!p0 [hbm:s6], $0xF7A  }
0x23: {  	s9 =	sor.u32 $0xD0000000, s2;
	s6 =	simm.s32 $0x108;
	_ =	swait.ge @!p0 [sflag:s8], $0x0  }
0x24: {  	s3 =	sadd.s32 $0x88, s3;
	s6 =	simm.s32 @!p1 $0x1082;
	[sflag:s4] =	ssyncset.s32 $0xFFFFF086  }
0x25: {  	[simem:s6], [sflag:s4] =	dma.local [hbm:s3], $0xF7A  }
0x26: {  	[smem:$0x3F9E] =	sst s1;
	(tag) =	ssettag s2;
	_ =	strace s9  }
0x27: {  	s1 =	sld [smem:$0x3FAE]  }
0x28: {  	s2 =	sld [smem:$0x3FAF]  }
0x29: {  	s4 =	sld [smem:$0x3FB1]  }
0x2a: {  	p0 =	seq.s32 s5, $0x0;
	s5 =	sld [smem:$0x3FB2]  }
0x2b: {  	s6 =	sld [smem:$0x3FB3]  }
0x2c: {  	s7 =	sld [smem:$0x3FB4]  }
0x2d: {  	s3 =	simm.s32 $0x108;
	s8 =	sld [smem:$0x3FB5]  }
0x2e: {  	s3 =	simm.s32 @!p0 $0x1082;
	s9 =	sld [smem:$0x3FB6]  }
0x2f: {  	lr =	sadd.s32 s0, s3;
	s0 =	sld [smem:$0x3FAD]  }
0x30: {  	s3 =	sld [smem:$0x3FB0]  }
0x31: {  	[smem:$0x3FB9] =	sst s10  }
0x32: {  	s10 =	sld [smem:$0x3FB7];
	_ =	sdelay $0x3  }
0x33: {  	p0 =	seq.s32 s10, $0x1;
	s10 =	sld [smem:$0x3FB9];
	_ =	sdelay $0x3  }
0x34: {  	[smem:$0x3FB9] =	sst s10  }
0x35: {  	s10 =	sld [smem:$0x3FB8];
	_ =	sdelay $0x3  }
0x36: {  	p1 =	seq.s32 s10, $0x1;
	s10 =	sld [smem:$0x3FB9];
	_ =	sdelay $0x3  }
0x37: {  	[smem:$0x3FB9] =	sst s10  }
0x38: {  	s10 =	sld [smem:$0x3FBA]  }
0x39: {  	_ = 	snop;
	(pc) =	sbr.ind lr, $3  }
0x3a: {  	_ = 	snop  }
0x3b: {  	_ = 	snop  }
0x3c: {  	p2 =	seq.s32 s10, $0x1;
	s10 =	sld [smem:$0x3FB9]  }
0x3d: {  	_ =	shalt  }
0x3e: {  	_ =	shalt  }
0x3f: {  	_ =	shalt  }
0x40: {  	_ =	shalt  }
0x41: {  	_ =	shalt  }
0x42: {  	_ =	shalt  }
0x43: {  	_ =	shalt  }
0x44: {  	_ =	shalt  }
0x45: {  	_ =	shalt  }
0x46: {  	_ =	shalt  }
0x47: {  	_ =	shalt  }
0x48: {  	_ =	shalt  }
0x49: {  	_ =	shalt  }
0x4a: {  	_ =	shalt  }
0x4b: {  	_ =	shalt  }
0x4c: {  	_ =	shalt  }
0x4d: {  	_ =	shalt  }
0x4e: {  	_ =	shalt  }
0x4f: {  	_ =	shalt  }
0x50: {  	_ =	shalt  }
0x51: {  	_ =	shalt  }
0x52: {  	_ =	shalt  }
0x53: {  	_ =	shalt  }
0x54: {  	_ =	shalt  }
0x55: {  	_ =	shalt  }
0x56: {  	_ =	shalt  }
0x57: {  	_ =	shalt  }
0x58: {  	_ =	shalt  }
0x59: {  	_ =	shalt  }
0x5a: {  	_ =	shalt  }
0x5b: {  	_ =	shalt  }
0x5c: {  	_ =	shalt  }
0x5d: {  	_ =	shalt  }
0x5e: {  	_ =	shalt  }
0x5f: {  	_ =	shalt  }
0x60: {  	_ =	shalt  }
0x61: {  	_ =	shalt  }
0x62: {  	_ =	shalt  }
0x63: {  	_ =	shalt  }
0x64: {  	_ =	shalt  }
0x65: {  	_ =	shalt  }
0x66: {  	_ =	shalt  }
0x67: {  	_ =	shalt  }
0x68: {  	_ =	shalt  }
0x69: {  	_ =	shalt  }
0x6a: {  	_ =	shalt  }
0x6b: {  	_ =	shalt  }
0x6c: {  	_ =	shalt  }
0x6d: {  	_ =	shalt  }
0x6e: {  	_ =	shalt  }
0x6f: {  	_ =	shalt  }
0x70: {  	_ =	shalt  }
0x71: {  	_ =	shalt  }
0x72: {  	_ =	shalt  }
0x73: {  	_ =	shalt  }
0x74: {  	_ =	shalt  }
0x75: {  	_ =	shalt  }
0x76: {  	_ =	shalt  }
0x77: {  	_ =	shalt  }
0x78: {  	_ =	shalt  }
0x79: {  	_ =	shalt  }
0x7a: {  	_ =	shalt  }
0x7b: {  	_ =	shalt  }
0x7c: {  	_ =	shalt  }
0x7d: {  	_ =	shalt  }
0x7e: {  	_ =	shalt  }
0x7f: {  	_ =	shalt  }
0x80: {  	_ =	shalt  }
0x81: {  	_ =	shalt  }
0x82: {  	_ =	shalt  }
0x83: {  	_ =	shalt  }
0x84: {  	_ =	shalt  }
0x85: {  	_ =	shalt  }
0x86: {  	_ =	shalt  }
0x87: {  	_ =	shalt  }
.Lfunc_end0:
.L_simem_size_0:
called_computation_lowered:
.L_overlay_start_0:
0x88: {  	s2 =	sld [smem:$0x3FD9]  }
0x89: {  	s3 =	sld [smem:$0x3FFE];
	_ =	sdelay $0x1  }
0x8a: {  	s1 =	srdreg.scid  }
0x8b: {  	s0 =	sand.u32 $0x1, s1  }
0x8c: {  	s16 =	sshll.u32 s0, $0xA;
	s2 =	sadd.s32 s3, s2  }
0x8d: {  	s2 =	sadd.s32 s2, s16  }
0x8e: {  	[smem:$0x3FC5] =	sst s2  }
0x8f: {  	_ = 	snop  }
0x90: {  	(tm) =	ssettm $0x1  }
0x91: {  	s17 =	sld [smem:$0x3FFB];
	_ =	sdelay $0x3  }
0x92: {  	_ =	strace s17  }
0x93: {  	s2 =	sld [smem:$0x3FFC];
	_ =	sdelay $0x3  }
0x94: {  	_ =	strace s2  }
0x95: {  	s2 =	sld [smem:$0x3FFD];
	_ =	sdelay $0x3  }
0x96: {  	_ =	strace s2  }
0x97: {  	_ =	strace $0x8FFFFFFF  }
0x98: {  	s18 =	sld [smem:$0x3FDB];
	_ =	sdelay $0x1  }
0x99: {  	s19 =	simm.s32 $_scs_section_size  }
0x9a: {  	s4 =	simm.s32 $_size__tile_overlayer_lowered;
	s5 =	simm.s32 $_tile_overlayer_lowered  }
0x9b: {  	s22 =	simm.s32 $0x1BFF;
	s21 =	sshll.u32 s5, $0x1;
	s2 =	sadd.s32 s19, s18  }
0x9c: {  	s6 =	simm.s32 $0x0;
	s20 =	sshll.u32 s4, $0x1;
	s4 =	sadd.s32 s21, s2  }
0x9d: {  	[timem:s6], [sflag:s22] =	dma.local [hbm:s4], s20  }
0x9e: {  	_ =	swait.ge [sflag:s22], s20  }
0x9f: {  	s3 =	ssub.s32 $0x0, s20;
	[sflag:s22] =	ssyncset.done $0x0  }
0xa0: {  	[sflag:s22] =	ssyncadd.s32 s3;
	_ =	sdelay $0x1  }
0xa1: {  	s23 =	simm.s32 $0x1B8B  }
0xa2: {  	_ =	swait.ge [sflag:s23], $0x1  }
0xa3: {  	[sflag:s23] =	ssyncset.done $0x0  }
0xa4: {  	s25 =	simm.s32 $0x1B8E;
	s24 =	sld [smem:$0x3FFE];
	[sflag:s23] =	ssyncadd.s32 $0xFFFFFFFF  }
0xa5: {  	s26 =	simm.s32 $execute0_lowered;
	[smem:$0x3FD2] =	sst s25  }
0xa6: {  	s4 =	sshll.u32 s26, $0x1;
	_ =	strace $0x80000046;
	[dreg:$0x1] =	wrdreg $0xFFFFFFFF  }
0xa7: {  	s28 =	simm.s32 $_size_execute0_lowered;
	s2 =	sadd.s32 s2, s4;
	[dreg:$0x0] =	wrdreg $0x0  }
0xa8: {  	s4 =	sshll.u32 s28, $0x1;
	[dreg:$0x2] =	wrdreg s2  }
0xa9: {  	[dreg:$0x3] =	wrdreg s4  }
0xaa: {  	[dreg:$0x4] =	wrdreg $0xC0  }
0xab: {  	_ =	task [dreg:s6], $0x5FFFF  }
0xac: {  	[dreg:$0x1] =	wrdreg $0xFFFFFFFF  }
0xad: {  	[dreg:$0x0] =	wrdreg $0x60  }
0xae: {  	[dreg:$0x2] =	wrdreg s24  }
0xaf: {  	[dreg:$0x3] =	wrdreg $0x9  }
0xb0: {  	_ =	task.clear_ibuf [dreg:s6], $0x4FFFF;
	_ =	strace $0x90000046  }
0xb1: {  	s29 =	simm.s32 $0x9;
	_ =	strace $0x80000048  }
0xb2: {  	_ =	swait.ge [sflag:s29], $0x1  }
0xb3: {  	[sflag:s29] =	ssyncadd.s32 $0xFFFFFFFF  }
0xb4: {  	_ =	strace $0x90000048  }
0xb5: {  	_ =	sfence  }
0xb6: {  	s30 =	sld [smem:$0x0];
	_ =	sdelay $0x2  }
0xb7: {  	s31 =	sshll.u32 s1, $0xD;
	s1 =	sshrl.u32 s1, $0x2  }
0xb8: {  	s3 =	sand.u32 $0x4000, s31;
	s1 =	sadd.s32 s1, s30  }
0xb9: {  	s0 =	sor.u32 s3, s0;
	s1 =	sshll.u32 s1, $0x11  }
0xba: {  	s0 =	sor.u32 s1, s0  }
0xbb: {  	s0 =	sadd.s32 $0x8F2B, s0  }
0xbc: {  	[sflag:s0] =	ssyncadd.remote.s32 $0x1  }
0xbd: {  	_ =	sfence.sel $0xFFFF  }
0xbe: {  	[dreg:$0x0] =	wrdreg $0xFFFFFFFF;
	(pc) =	sbr.abs _section_cstart, $3  }
0xbf: {  	[dreg:$0x1] =	wrdreg $0xFFFFFFFF  }
0xc0: {  	_ =	task.clear_ibuf [dreg:s6], $0x2FFFF;
	_ =	strace $0x9FFFFFFF  }
0xc1: {  	(tm) =	ssettm $0x7FFFFFFF  }
tec
execute0_lowered:
.L_overlay_start_1:
0x0: {  	(tag) =	ssettag $0x1  }
0x1: {  	s0 =	srdreg.scid  }
0x2: {  	s4 =	rddreg [dreg:$0x0];
	s3 =	sand.u32 $0x1, s0  }
0x3: {  	s2 =	simm.s32 $0x0;
	s0 =	stileid.u32;
	s1 =	sshll.u32 s3, $0x4  }
0x4: {  	s9 =	simm.s32 $0x0;
	[smem:$0x7FF] =	sst s2;
	s5 =	sor.u32 s0, s1  }
0x5: {  	s7 =	ssub.s32 $0x2, s3;
	s3 =	sadd.s32 $0x5E00, s4;
	s6 =	smul.u32 $0x271, s5  }
0x6: {  	vm0 =	vcmask $0x3F20;
	s1 =	rddreg [dreg:$0x1];
	s8 =	sshrl.u32 s7, $0x1;
	s5 =	smul.u32 $0x2800, s5  }
0x7: {  	_ =	strace $0x80000047;
	s7 =	ssub.s32 s7, s8;
	s6 =	sadd.s32 s6, s4  }
0x8: {  	v1 =	vlaneseq.u32;
	s8 =	simm.s32 $0x14000;
	s5 =	sadd.s32 s5, s4;
	s4 =	sadd.s32 $0xE00, s6  }
0x9: {  	v2 =	vimm.f32 $1.000000000e+00;
	v0 =	vshrl.u32 v1, $0x3;
	v1 =	vand.u32 $0x7, v1;
	s5 =	sadd.s32 $0x8600, s5;
	s6 =	smax.u32 s7, $0x1;
	s7 =	simm.s32 $0x1  }
.LBB2_1:
0xa: {  	[tilespmem:s2], [sflag:$0x1] =	stream.linear.gather [hbm4b:s3+s2], $0x14000, $0x38;
	[tilespmem:$0x15388] =	vst v63  }
0xb: {  	_ =	swait.ge [sflag:s7], $0x14000  }
0xc: {  	[sflag:s7] =	ssyncset.done $0x0  }
0xd: {  	v3 =	vor.u32 s2, v0;
	[sflag:s7] =	ssyncadd.s32 $0xFFFEC000  }
0xe: {  	[tilespmem:s8], [sflag:$0x1] =	stream.linear.gather [hbm4b:s4+s2], $0x1388, $0x38;
	[tilespmem:$0x15388] =	vst v63  }
0xf: {  	_ =	swait.ge [sflag:s7], $0x1388  }
0x10: {  	[sflag:s7] =	ssyncset.done $0x0  }
0x11: {  	[sflag:s7] =	ssyncadd.s32 $0xFFFFEC78  }
0x12: {  	v3 =	vld.idx.msk [tilespmem:v3+s8+$0x0], $0xffff;
	_ =	sdelay $0x4  }
0x13: {  	v3 =	vshll.u32 v3, $0x3  }
0x14: {  	v3 =	vor.u32 v1, v3  }
0x15: {  	s10 =	simm.s32 $0x2  }
0x16: {  	v4 =	vor.u32 s10, v0  }
0x17: {  	s10 =	simm.s32 $0x4  }
.LBB2_2:
0x18: {  	p0 =	sne.s32 s10, $0x1386  }
0x19: {  	[tilespmem:v3+s2+$0x0] =	vst.idx.add.f32.msk $0xff, v2  }
0x1a: {  	[tilespmem:v3+s2+$0x0] =	vst.idx.add.f32.msk vm0, v2  }
0x1b: {  	v3 =	vld.idx.msk [tilespmem:v4+s8+$0x0], $0xffff;
	_ =	sdelay $0x5  }
.Ltmp0:
0x1c: {  	v3 =	vshll.u32 v3, $0x3;
	(pc) =	sbr.rel @p0 .LBB2_2-.Ltmp0, $3  }
0x1d: {  	v3 =	vor.u32 v1, v3;
	_ =	sdelay $0x1  }
0x1e: {  	v4 =	vor.u32 s10, v0  }
0x1f: {  	s10 =	sadd.s32 $0x2, s10  }
0x20: {  	_ =	sdelay $0x3  }
0x21: {  	[tilespmem:v3+s2+$0x0] =	vst.idx.add.f32.msk $0xff, v2  }
0x22: {  	[tilespmem:v3+s2+$0x0] =	vst.idx.add.f32.msk vm0, v2  }
0x23: {  	v3 =	vld.idx.msk [tilespmem:v4+s8+$0x0], $0xffff;
	_ =	sdelay $0x4  }
0x24: {  	v3 =	vshll.u32 v3, $0x3  }
0x25: {  	v3 =	vor.u32 v1, v3;
	_ =	sdelay $0x3  }
0x26: {  	s9 =	sadd.s32 $0x1, s9  }
0x27: {  	p0 =	sne.s32 s9, s6;
	[tilespmem:v3+s2+$0x0] =	vst.idx.add.f32.msk $0xff, v2  }
.Ltmp1:
0x28: {  	[tilespmem:v3+s2+$0x0] =	vst.idx.add.f32.msk vm0, v2;
	(pc) =	sbr.rel @p0 .LBB2_1-.Ltmp1, $4  }
0x29: {  	[hbm4b:s5+s2] =	stream.linear.scatter [tilespmem:s2], [sflag:$0x1], $0x14000, $0x38;
	[tilespmem:$0x15388] =	vst v63  }
0x2a: {  	_ =	swait.ge [sflag:s7], $0x14000  }
0x2b: {  	[sflag:s7] =	ssyncset.done $0x0  }
0x2c: {  	[sflag:s7] =	ssyncadd.s32 $0xFFFEC000  }
0x2d: {  	_ =	sfence.sel $0x180000  }
0x2e: {  	[bflag:$0x0] =	sbarrier.arrive $0xFFFF  }
0x2f: {  	p0 =	sne.s32 s0, $0x0;
	_ =	strace $0x90000047  }
0x30: {  	s0 =	sadd.s32 @!p0 $0x100000, s1;
	[bflag:$0x2] =	sbarrier.arrive $0xFFFF  }
0x31: {  	[sflag:s0] =	ssyncadd.tile.s32 @!p0 $0x1;
	_ =	shalt  }
.Lfunc_end2:
_tile_overlayer_lowered:
.L_overlay_start_2:
0x32: {  	(tag) =	ssettag $0x2  }
0x33: {  	s0 =	rddreg [dreg:$0x0];
	s2 =	stileid.u32  }
0x34: {  	s1 =	rddreg [dreg:$0x1];
	p0 =	sne.s32 s2, $0x0  }
0x35: {  	s3 =	rddreg [dreg:$0x2];
	[bflag:$0x3] =	sbarrier.arrive $0xFFFF;
	s2 =	simm.s32 @!p0 $0x1C01  }
0x36: {  	[timem:s3], [sflag:s2] =	dma.local @!p0 [hbm:s0], s1  }
0x37: {  	s0 =	simm.s32 @!p0 $0x1  }
0x38: {  	_ =	swait.ge @!p0 [sflag:s0], s1  }
0x39: {  	s1 =	ssub.s32 @!p0 $0x0, s1;
	[sflag:s0] =	ssyncset.done @!p0 $0x0  }
0x3a: {  	[sflag:s0] =	ssyncadd.s32 @!p0 s1  }
0x3b: {  	[bflag:$0x3] =	sbarrier.arrive $0xFFFF  }
0x3c: {  	_ =	shalt  }

// kernel: kernel.9.cloned.1.call-start
scs
__scs_entry_jumppad:
0x0: {  	(pc) =	sbr.rel $0x88, $3  }
0x1: {  	(tag) =	ssettag $0x0;
	lr =	simm.s32 $0x1  }
0x2: {  	[smem:$0x3F9E] =	sst lr;
	_ =	strace $0xD0000000  }
0x3: {  	_ = 	snop  }
0x4: {  	_ = 	snop  }
0x5: {  	_ = 	snop  }
0x6: {  	_ = 	snop  }
0x7: {  	_ = 	snop  }
__scs_overlays_trampoline_lowered:
0x8: {  	[smem:$0x3FAD] =	sst s0  }
0x9: {  	[smem:$0x3FAE] =	sst s1  }
0xa: {  	[smem:$0x3FAF] =	sst s2  }
0xb: {  	[smem:$0x3FB0] =	sst s3  }
0xc: {  	[smem:$0x3FB1] =	sst s4  }
0xd: {  	[smem:$0x3FB2] =	sst s5  }
0xe: {  	[smem:$0x3FB3] =	sst s6  }
0xf: {  	[smem:$0x3FB4] =	sst s7  }
0x10: {  	[smem:$0x3FB5] =	sst s8  }
0x11: {  	[smem:$0x3FB6] =	sst s9;
	s0 =	simm.s32 @!p0 $0x0  }
0x12: {  	s1 =	sld [smem:$0x3F9C];
	s0 =	simm.s32 @p0 $0x1  }
0x13: {  	[smem:$0x3FB7] =	sst s0;
	s0 =	simm.s32 @!p1 $0x0  }
0x14: {  	s2 =	sld [smem:$0x3F9B];
	s0 =	simm.s32 @p1 $0x1  }
0x15: {  	[smem:$0x3FB8] =	sst s0;
	s0 =	simm.s32 @!p2 $0x0  }
0x16: {  	s3 =	sld [smem:$0x3FDB];
	s0 =	simm.s32 @p2 $0x1  }
0x17: {  	s4 =	simm.s32 $0x1BF5;
	[smem:$0x3FBA] =	sst s0  }
0x18: {  	s0 =	sld [smem:$0x3F9D];
	_ =	swait.ge [sflag:s4], $0x0  }
0x19: {  	s7 =	sld [smem:$0x3F9E]  }
0x1a: {  	s8 =	sadd.s32 $0xFFFFE003, lr  }
0x1b: {  	s9 =	sadd.s32 $0xFFFFFEF7, lr;
	s5 =	simm.s32 $0xFFFFFFFF;
	p2 =	slt.u32 s8, $0xFFFFF086  }
0x1c: {  	p1 =	slt.u32 s9, $0xF7A;
	s5 =	simm.s32 @!p2 $0x0  }
0x1d: {  	s5 =	simm.s32 @p1 $0x1;
	p0 =	seq.s32 s7, s2  }
0x1e: {  	s7 =	smul.u32 @!p0 $0xF7A, s2;
	p2 =	seq.s32 @!p0 s5, $0x0  }
0x1f: {  	s9 =	smul.u32 $0xF7A, s1;
	s8 =	simm.s32 @!p0 $0x1BF5;
	p2 =	por !p2, p0  }
0x20: {  	[sflag:s8] =	ssyncset.s32 @!p0 $0xFFFFF086;
	s6 =	sadd.s32 @!p0 s3, s7;
	s7 =	simm.s32 @!p0 $0x108  }
0x21: {  	s3 =	sadd.s32 s3, s9;
	s6 =	sadd.s32 @!p0 $0x88, s6;
	s7 =	simm.s32 @p2 $0x1082  }
0x22: {  	[simem:s7], [sflag:s8] =	dma.local @!p0 [hbm:s6], $0xF7A  }
0x23: {  	s9 =	sor.u32 $0xD0000000, s2;
	s6 =	simm.s32 $0x108;
	_ =	swait.ge @!p0 [sflag:s8], $0x0  }
0x24: {  	s3 =	sadd.s32 $0x88, s3;
	s6 =	simm.s32 @!p1 $0x1082;
	[sflag:s4] =	ssyncset.s32 $0xFFFFF086  }
0x25: {  	[simem:s6], [sflag:s4] =	dma.local [hbm:s3], $0xF7A  }
0x26: {  	[smem:$0x3F9E] =	sst s1;
	(tag) =	ssettag s2;
	_ =	strace s9  }
0x27: {  	s1 =	sld [smem:$0x3FAE]  }
0x28: {  	s2 =	sld [smem:$0x3FAF]  }
0x29: {  	s4 =	sld [smem:$0x3FB1]  }
0x2a: {  	p0 =	seq.s32 s5, $0x0;
	s5 =	sld [smem:$0x3FB2]  }
0x2b: {  	s6 =	sld [smem:$0x3FB3]  }
0x2c: {  	s7 =	sld [smem:$0x3FB4]  }
0x2d: {  	s3 =	simm.s32 $0x108;
	s8 =	sld [smem:$0x3FB5]  }
0x2e: {  	s3 =	simm.s32 @!p0 $0x1082;
	s9 =	sld [smem:$0x3FB6]  }
0x2f: {  	lr =	sadd.s32 s0, s3;
	s0 =	sld [smem:$0x3FAD]  }
0x30: {  	s3 =	sld [smem:$0x3FB0]  }
0x31: {  	[smem:$0x3FB9] =	sst s10  }
0x32: {  	s10 =	sld [smem:$0x3FB7];
	_ =	sdelay $0x3  }
0x33: {  	p0 =	seq.s32 s10, $0x1;
	s10 =	sld [smem:$0x3FB9];
	_ =	sdelay $0x3  }
0x34: {  	[smem:$0x3FB9] =	sst s10  }
0x35: {  	s10 =	sld [smem:$0x3FB8];
	_ =	sdelay $0x3  }
0x36: {  	p1 =	seq.s32 s10, $0x1;
	s10 =	sld [smem:$0x3FB9];
	_ =	sdelay $0x3  }
0x37: {  	[smem:$0x3FB9] =	sst s10  }
0x38: {  	s10 =	sld [smem:$0x3FBA]  }
0x39: {  	_ = 	snop;
	(pc) =	sbr.ind lr, $3  }
0x3a: {  	_ = 	snop  }
0x3b: {  	_ = 	snop  }
0x3c: {  	p2 =	seq.s32 s10, $0x1;
	s10 =	sld [smem:$0x3FB9]  }
0x3d: {  	_ =	shalt  }
0x3e: {  	_ =	shalt  }
0x3f: {  	_ =	shalt  }
0x40: {  	_ =	shalt  }
0x41: {  	_ =	shalt  }
0x42: {  	_ =	shalt  }
0x43: {  	_ =	shalt  }
0x44: {  	_ =	shalt  }
0x45: {  	_ =	shalt  }
0x46: {  	_ =	shalt  }
0x47: {  	_ =	shalt  }
0x48: {  	_ =	shalt  }
0x49: {  	_ =	shalt  }
0x4a: {  	_ =	shalt  }
0x4b: {  	_ =	shalt  }
0x4c: {  	_ =	shalt  }
0x4d: {  	_ =	shalt  }
0x4e: {  	_ =	shalt  }
0x4f: {  	_ =	shalt  }
0x50: {  	_ =	shalt  }
0x51: {  	_ =	shalt  }
0x52: {  	_ =	shalt  }
0x53: {  	_ =	shalt  }
0x54: {  	_ =	shalt  }
0x55: {  	_ =	shalt  }
0x56: {  	_ =	shalt  }
0x57: {  	_ =	shalt  }
0x58: {  	_ =	shalt  }
0x59: {  	_ =	shalt  }
0x5a: {  	_ =	shalt  }
0x5b: {  	_ =	shalt  }
0x5c: {  	_ =	shalt  }
0x5d: {  	_ =	shalt  }
0x5e: {  	_ =	shalt  }
0x5f: {  	_ =	shalt  }
0x60: {  	_ =	shalt  }
0x61: {  	_ =	shalt  }
0x62: {  	_ =	shalt  }
0x63: {  	_ =	shalt  }
0x64: {  	_ =	shalt  }
0x65: {  	_ =	shalt  }
0x66: {  	_ =	shalt  }
0x67: {  	_ =	shalt  }
0x68: {  	_ =	shalt  }
0x69: {  	_ =	shalt  }
0x6a: {  	_ =	shalt  }
0x6b: {  	_ =	shalt  }
0x6c: {  	_ =	shalt  }
0x6d: {  	_ =	shalt  }
0x6e: {  	_ =	shalt  }
0x6f: {  	_ =	shalt  }
0x70: {  	_ =	shalt  }
0x71: {  	_ =	shalt  }
0x72: {  	_ =	shalt  }
0x73: {  	_ =	shalt  }
0x74: {  	_ =	shalt  }
0x75: {  	_ =	shalt  }
0x76: {  	_ =	shalt  }
0x77: {  	_ =	shalt  }
0x78: {  	_ =	shalt  }
0x79: {  	_ =	shalt  }
0x7a: {  	_ =	shalt  }
0x7b: {  	_ =	shalt  }
0x7c: {  	_ =	shalt  }
0x7d: {  	_ =	shalt  }
0x7e: {  	_ =	shalt  }
0x7f: {  	_ =	shalt  }
0x80: {  	_ =	shalt  }
0x81: {  	_ =	shalt  }
0x82: {  	_ =	shalt  }
0x83: {  	_ =	shalt  }
0x84: {  	_ =	shalt  }
0x85: {  	_ =	shalt  }
0x86: {  	_ =	shalt  }
0x87: {  	_ =	shalt  }
.Lfunc_end0:
.L_simem_size_0:
called_computation.1_lowered:
.L_overlay_start_0:
0x88: {  	s2 =	sld [smem:$0x3FD9]  }
0x89: {  	s3 =	sld [smem:$0x3FFE];
	_ =	sdelay $0x1  }
0x8a: {  	s1 =	srdreg.scid  }
0x8b: {  	s0 =	sand.u32 $0x1, s1  }
0x8c: {  	s17 =	sshll.u32 s0, $0xA;
	s2 =	sadd.s32 s3, s2  }
0x8d: {  	s2 =	sadd.s32 s2, s17  }
0x8e: {  	[smem:$0x3FC5] =	sst s2  }
0x8f: {  	_ = 	snop  }
0x90: {  	s2 =	sld [smem:$0x3FD0];
	(tm) =	ssettm $0x1  }
0x91: {  	s18 =	sld [smem:$0x3FFB];
	_ =	sdelay $0x3  }
0x92: {  	_ =	strace s18  }
0x93: {  	s3 =	sld [smem:$0x3FFC];
	_ =	sdelay $0x3  }
0x94: {  	_ =	strace s3  }
0x95: {  	s3 =	sld [smem:$0x3FFD];
	_ =	sdelay $0x3  }
0x96: {  	_ =	strace s3  }
0x97: {  	_ =	strace $0x8FFFFFFF  }
0x98: {  	s19 =	sld [smem:$0x3FDB];
	_ =	sdelay $0x1  }
0x99: {  	s4 =	simm.s32 $_scs_section_size  }
0x9a: {  	s5 =	simm.s32 $_size__tile_overlayer_lowered;
	s6 =	simm.s32 $_tile_overlayer_lowered  }
0x9b: {  	s22 =	simm.s32 $0x1BFF;
	s21 =	sshll.u32 s6, $0x1;
	s3 =	sadd.s32 s4, s19  }
0x9c: {  	s7 =	simm.s32 $0x0;
	s20 =	sshll.u32 s5, $0x1;
	s5 =	sadd.s32 s21, s3  }
0x9d: {  	[timem:s7], [sflag:s22] =	dma.local [hbm:s5], s20  }
0x9e: {  	_ =	swait.ge [sflag:s22], s20  }
0x9f: {  	s4 =	ssub.s32 $0x0, s20;
	[sflag:s22] =	ssyncset.done $0x0  }
0xa0: {  	[sflag:s22] =	ssyncadd.s32 s4;
	_ =	sdelay $0x1  }
0xa1: {  	s23 =	simm.s32 $0x1B8B  }
0xa2: {  	_ =	swait.ge [sflag:s23], $0x1  }
0xa3: {  	[sflag:s23] =	ssyncset.done $0x0  }
0xa4: {  	s25 =	simm.s32 $0x1B8E;
	s24 =	sld [smem:$0x3FFE];
	[sflag:s23] =	ssyncadd.s32 $0xFFFFFFFF  }
0xa5: {  	s26 =	simm.s32 $execute0_lowered;
	[smem:$0x3FD2] =	sst s25  }
0xa6: {  	s5 =	sshll.u32 s26, $0x1;
	_ =	strace $0x80000049;
	[dreg:$0x1] =	wrdreg $0xFFFFFFFF  }
0xa7: {  	s28 =	simm.s32 $_size_execute0_lowered;
	s3 =	sadd.s32 s3, s5;
	[dreg:$0x0] =	wrdreg $0x0  }
0xa8: {  	s5 =	sshll.u32 s28, $0x1;
	[dreg:$0x2] =	wrdreg s3  }
0xa9: {  	[dreg:$0x3] =	wrdreg s5  }
0xaa: {  	[dreg:$0x4] =	wrdreg $0xC0  }
0xab: {  	_ =	task [dreg:s7], $0x5FFFF  }
0xac: {  	[dreg:$0x1] =	wrdreg $0xFFFFFFFF  }
0xad: {  	[dreg:$0x0] =	wrdreg $0x60  }
0xae: {  	[dreg:$0x2] =	wrdreg s24  }
0xaf: {  	[dreg:$0x3] =	wrdreg s2  }
0xb0: {  	[dreg:$0x4] =	wrdreg $0x9  }
0xb1: {  	_ =	task.clear_ibuf [dreg:s7], $0x5FFFF;
	_ =	strace $0x90000049  }
0xb2: {  	s29 =	simm.s32 $0x9;
	_ =	strace $0x8000004B  }
0xb3: {  	_ =	swait.ge [sflag:s29], $0x1  }
0xb4: {  	[sflag:s29] =	ssyncadd.s32 $0xFFFFFFFF  }
0xb5: {  	_ =	strace $0x9000004B  }
0xb6: {  	_ =	sfence  }
0xb7: {  	s30 =	sld [smem:$0x0];
	_ =	sdelay $0x2  }
0xb8: {  	s31 =	sshll.u32 s1, $0xD;
	s1 =	sshrl.u32 s1, $0x2  }
0xb9: {  	s3 =	sand.u32 $0x4000, s31;
	s1 =	sadd.s32 s1, s30  }
0xba: {  	s0 =	sor.u32 s3, s0;
	s1 =	sshll.u32 s1, $0x11  }
0xbb: {  	s0 =	sor.u32 s1, s0  }
0xbc: {  	s0 =	sadd.s32 $0x8F2B, s0  }
0xbd: {  	[sflag:s0] =	ssyncadd.remote.s32 $0x1  }
0xbe: {  	_ =	sfence.sel $0xFFFF  }
0xbf: {  	[dreg:$0x0] =	wrdreg $0xFFFFFFFF;
	(pc) =	sbr.abs _section_cstart, $3  }
0xc0: {  	[dreg:$0x1] =	wrdreg $0xFFFFFFFF  }
0xc1: {  	_ =	task.clear_ibuf [dreg:s7], $0x2FFFF;
	_ =	strace $0x9FFFFFFF  }
0xc2: {  	(tm) =	ssettm $0x7FFFFFFF  }
0xc3: {  	_ =	shalt  }
tec
execute0_lowered:
.L_overlay_start_1:
0x0: {  	(tag) =	ssettag $0x1  }
0x1: {  	s5 =	rddreg [dreg:$0x0]  }
0x2: {  	s0 =	srdreg.scid;
	s2 =	rddreg [dreg:$0x1]  }
0x3: {  	s1 =	stileid.u32;
	s3 =	simm.s32 $0x0;
	s9 =	simm.s32 $0x14000  }
0x4: {  	s10 =	simm.s32 $0x15900;
	s11 =	simm.s32 $0x17200;
	s12 =	simm.s32 $0x1  }
0x5: {  	s13 =	simm.s32 $0x80;
	s14 =	simm.s32 $0x17600;
	s4 =	sand.u32 $0x1, s0  }
0x6: {  	s15 =	simm.s32 $0x2;
	s16 =	simm.s32 $0x0;
	s6 =	sshll.u32 s4, $0x4  }
0x7: {  	s18 =	simm.s32 $0x0;
	s0 =	rddreg [dreg:$0x2];
	s6 =	sor.u32 s1, s6  }
0x8: {  	[smem:$0x7FF] =	sst s3;
	s7 =	ssub.s32 $0x2, s4;
	s6 =	smul.u32 $0x2800, s6  }
0x9: {  	v2 =	vlaneseq.u32;
	vm0 =	vcmask $0x3F20;
	_ =	strace $0x8000004A;
	s4 =	sadd.s32 $0xE00, s5;
	s8 =	sshrl.u32 s7, $0x1  }
0xa: {  	v0 =	vshrl.u32 v2, $0x3;
	s7 =	ssub.s32 s7, s8;
	s8 =	simm.s32 $0x3;
	s6 =	sadd.s32 s6, s5  }
0xb: {  	v2 =	vand.u32 $0x7, v2;
	v1 =	vmul.u32 $0x8, v0;
	s7 =	smax.u32 s7, $0x1;
	s5 =	sadd.s32 $0x5E00, s6;
	s6 =	sadd.s32 $0x558600, s6  }
.LBB2_1:
0xc: {  	[tilespmem:s3], [sflag:$0x3] =	stream.linear.gather [hbm4b:s5+s3], $0x14000, $0x38;
	[tilespmem:$0x17A00] =	vst v63  }
0xd: {  	_ =	swait.ge [sflag:s8], $0x14000  }
0xe: {  	[sflag:s8] =	ssyncset.done $0x0  }
0xf: {  	s17 =	simm.s32 $0x0;
	[sflag:s8] =	ssyncadd.s32 $0xFFFEC000  }
.LBB2_2:
0x10: {  	s19 =	smul.u32 $0x320, s17;
	_ =	sdelay $0x1  }
0x11: {  	s20 =	sadd.s32 s4, s19  }
0x12: {  	[tilespmem:s9], [sflag:$0x3] =	stream.linear.gather [hbm4b:s20+s18], $0x1900, $0x38;
	[tilespmem:$0x17A00] =	vst v63  }
0x13: {  	_ =	swait.ge [sflag:s8], $0x1900  }
0x14: {  	[sflag:s8] =	ssyncset.done $0x0  }
0x15: {  	s19 =	sadd.s32 s2, s19;
	[sflag:s8] =	ssyncadd.s32 $0xFFFFE700  }
0x16: {  	[tilespmem:s10], [sflag:$0x3] =	stream.linear.gather [hbm4b:s19+s18], $0x1900, $0x38;
	[tilespmem:$0x17A00] =	vst v63  }
0x17: {  	_ =	swait.ge [sflag:s8], $0x1900  }
0x18: {  	s21 =	simm.s32 $0x0;
	[sflag:s8] =	ssyncset.done $0x0  }
0x19: {  	s20 =	simm.s32 $0x0;
	s19 =	simm.s32 $0x80;
	[sflag:s8] =	ssyncadd.s32 $0xFFFFE700  }
0x1a: {  	[tilespmem:s11], [sflag:$0x1] =	stream.indirect.gather [hbm4b:s5+s19], $0x8, s10, s19, $0xb8;
	[tilespmem:$0x17A00] =	vst v63  }
.LBB2_3:
0x1b: {  	s22 =	sadd.s32 $0x0, s20  }
0x1c: {  	v3 =	vor.u32 s22, v0  }
0x1d: {  	_ =	swait.ge [sflag:s12], $0x400  }
0x1e: {  	s31 =	sshll.u32 s21, $0x8;
	[sflag:s12] =	ssyncset.done $0x0  }
0x1f: {  	v4 =	vmov s18;
	s22 =	sadd.s32 $0x15980, s31;
	[sflag:s12] =	ssyncadd.s32 $0xFFFFFC00  }
0x20: {  	v4 =	vshll.u32 v4, $0x3;
	[tilespmem:s14], [sflag:$0x2] =	stream.indirect.gather [hbm4b:s5+s13], $0x8, s22, s13, $0xb8;
	[tilespmem:$0x17A00] =	vst v63  }
0x21: {  	v4 =	vor.u32 v1, v4;
	v3 =	vld.idx.msk [tilespmem:v3+s9+$0x0], $0xffff  }
0x22: {  	v4 =	vor.u32 v2, v4;
	_ =	sdelay $0x3  }
0x23: {  	v5 =	vshll.u32 v3, $0x3  }
0x24: {  	v3 =	vld.idx.msk [tilespmem:v4+s11+$0x0], $0xffff;
	v4 =	vor.u32 v2, v5  }
0x25: {  	s23 =	sadd.s32 $0x2, s20  }
0x26: {  	s22 =	simm.s32 $0x2;
	v5 =	vor.u32 s23, v0;
	s23 =	simm.s32 $0x4  }
.LBB2_4:
0x27: {  	p0 =	sne.s32 s23, $0x7E;
	_ =	sdelay $0x1  }
0x28: {  	v6 =	vmov s22;
	s22 =	smov.u32 s23;
	[tilespmem:v4+s3+$0x0] =	vst.idx.add.f32.msk $0xff, v3  }
0x29: {  	v6 =	vshll.u32 v6, $0x3;
	[tilespmem:v4+s3+$0x0] =	vst.idx.add.f32.msk vm0, v3  }
0x2a: {  	v3 =	vor.u32 v1, v6;
	v4 =	vld.idx.msk [tilespmem:v5+s9+$0x0], $0xffff  }
0x2b: {  	v3 =	vor.u32 v2, v3;
	_ =	sdelay $0x3  }
.Ltmp0:
0x2c: {  	(pc) =	sbr.rel @p0 .LBB2_4-.Ltmp0, $4  }
0x2d: {  	v4 =	vshll.u32 v4, $0x3;
	v3 =	vld.idx.msk [tilespmem:v3+s11+$0x0], $0xffff  }
0x2e: {  	v4 =	vor.u32 v2, v4  }
0x2f: {  	s24 =	sadd.s32 s23, s20  }
0x30: {  	s23 =	sadd.s32 $0x2, s23;
	v5 =	vor.u32 s24, v0  }
0x31: {  	_ =	sdelay $0x3  }
0x32: {  	v6 =	vmov s22;
	[tilespmem:v4+s3+$0x0] =	vst.idx.add.f32.msk $0xff, v3  }
0x33: {  	v6 =	vshll.u32 v6, $0x3;
	[tilespmem:v4+s3+$0x0] =	vst.idx.add.f32.msk vm0, v3  }
0x34: {  	v4 =	vor.u32 v1, v6;
	v3 =	vld.idx.msk [tilespmem:v5+s9+$0x0], $0xffff  }
0x35: {  	v4 =	vor.u32 v2, v4;
	_ =	sdelay $0x3  }
0x36: {  	v3 =	vshll.u32 v3, $0x3  }
0x37: {  	v4 =	vld.idx.msk [tilespmem:v4+s11+$0x0], $0xffff;
	v3 =	vor.u32 v2, v3;
	_ =	sdelay $0x4  }
0x38: {  	s30 =	sadd.s32 $0x0, s19;
	[tilespmem:v3+s3+$0x0] =	vst.idx.add.f32.msk $0xff, v4  }
0x39: {  	p0 =	seq.s32 s21, $0x18;
	[tilespmem:v3+s3+$0x0] =	vst.idx.add.f32.msk vm0, v4;
	v3 =	vor.u32 s30, v0  }
0x3a: {  	s23 =	simm.s32 $0x0;
	s22 =	sshll.u32 @!p0 s21, $0x8;
	_ =	swait.ge [sflag:s15], $0x400  }
0x3b: {  	s24 =	simm.s32 @!p0 $0x80;
	s22 =	sand.u32 @!p0 $0x3FFFFF00, s22;
	[sflag:s15] =	ssyncset.done $0x0  }
0x3c: {  	s22 =	sadd.s32 @!p0 $0x15A00, s22;
	v4 =	vmov s23;
	s23 =	simm.s32 @!p0 $0x17200;
	[sflag:s15] =	ssyncadd.s32 $0xFFFFFC00  }
0x3d: {  	v4 =	vshll.u32 v4, $0x3;
	[tilespmem:s23], [sflag:$0x1] =	stream.indirect.gather @!p0 [hbm4b:s5+s24], $0x8, s22, s24, $0xb8;
	[tilespmem:$0x17A00] =	vst v63  }
0x3e: {  	v4 =	vor.u32 v1, v4;
	v3 =	vld.idx.msk [tilespmem:v3+s9+$0x0], $0xffff  }
0x3f: {  	v4 =	vor.u32 v2, v4;
	_ =	sdelay $0x3  }
0x40: {  	v5 =	vshll.u32 v3, $0x3  }
0x41: {  	v3 =	vld.idx.msk [tilespmem:v4+s14+$0x0], $0xffff;
	v4 =	vor.u32 v2, v5  }
0x42: {  	s31 =	sadd.s32 $0x2, s19  }
0x43: {  	s22 =	simm.s32 $0x2;
	s23 =	simm.s32 $0x4;
	v5 =	vor.u32 s31, v0  }
.LBB2_6:
0x44: {  	p0 =	sne.s32 s23, $0x7E;
	_ =	sdelay $0x1  }
0x45: {  	v6 =	vmov s22;
	s22 =	smov.u32 s23;
	[tilespmem:v4+s3+$0x0] =	vst.idx.add.f32.msk $0xff, v3  }
0x46: {  	v6 =	vshll.u32 v6, $0x3;
	[tilespmem:v4+s3+$0x0] =	vst.idx.add.f32.msk vm0, v3  }
0x47: {  	v3 =	vor.u32 v1, v6;
	v4 =	vld.idx.msk [tilespmem:v5+s9+$0x0], $0xffff  }
0x48: {  	v3 =	vor.u32 v2, v3;
	_ =	sdelay $0x3  }
.Ltmp1:
0x49: {  	(pc) =	sbr.rel @p0 .LBB2_6-.Ltmp1, $4  }
0x4a: {  	v4 =	vshll.u32 v4, $0x3;
	v3 =	vld.idx.msk [tilespmem:v3+s14+$0x0], $0xffff  }
0x4b: {  	v4 =	vor.u32 v2, v4  }
0x4c: {  	s24 =	sadd.s32 s23, s19  }
0x4d: {  	s23 =	sadd.s32 $0x2, s23;
	v5 =	vor.u32 s24, v0  }
0x4e: {  	_ =	sdelay $0x3  }
0x4f: {  	v6 =	vmov s22;
	[tilespmem:v4+s3+$0x0] =	vst.idx.add.f32.msk $0xff, v3  }
0x50: {  	v6 =	vshll.u32 v6, $0x3;
	[tilespmem:v4+s3+$0x0] =	vst.idx.add.f32.msk vm0, v3  }
0x51: {  	v63 =	vor.u32 v1, v6;
	v3 =	vld.idx.msk [tilespmem:v5+s9+$0x0], $0xffff  }
0x52: {  	v4 =	vor.u32 v2, v63;
	_ =	sdelay $0x3  }
0x53: {  	v3 =	vshll.u32 v3, $0x3  }
0x54: {  	s21 =	sadd.s32 $0x1, s21;
	v4 =	vld.idx.msk [tilespmem:v4+s14+$0x0], $0xffff;
	v3 =	vor.u32 v2, v3  }
0x55: {  	p0 =	sne.s32 s21, $0x19  }
.Ltmp2:
0x56: {  	_ = 	snop;
	(pc) =	sbr.rel @p0 .LBB2_3-.Ltmp2, $3  }
0x57: {  	_ =	sdelay $0x1  }
0x58: {  	[tilespmem:v3+s3+$0x0] =	vst.idx.add.f32.msk $0xff, v4  }
0x59: {  	s20 =	sadd.s32 $0x100, s20;
	s19 =	sadd.s32 $0x100, s19;
	[tilespmem:v3+s3+$0x0] =	vst.idx.add.f32.msk vm0, v4  }
0x5a: {  	s17 =	sadd.s32 $0x1, s17  }
0x5b: {  	p0 =	sne.s32 s17, $0x19  }
.Ltmp3:
0x5c: {  	_ = 	snop;
	(pc) =	sbr.rel @p0 .LBB2_2-.Ltmp3, $1  }
0x5d: {  	_ =	sdelay $0x3  }
0x5e: {  	s16 =	sadd.s32 $0x1, s16  }
0x5f: {  	p0 =	sne.s32 s16, s7  }
.Ltmp4:
0x60: {  	_ = 	snop;
	(pc) =	sbr.rel @p0 .LBB2_1-.Ltmp4, $4  }
0x61: {  	[hbm4b:s6+s3] =	stream.linear.scatter [tilespmem:s3], [sflag:$0x3], $0x14000, $0x38;
	[tilespmem:$0x17A00] =	vst v63  }
0x62: {  	_ =	swait.ge [sflag:s8], $0x14000  }
0x63: {  	[sflag:s8] =	ssyncset.done $0x0  }
0x64: {  	[sflag:s8] =	ssyncadd.s32 $0xFFFEC000  }
0x65: {  	_ =	sfence.sel $0x180000  }
0x66: {  	[bflag:$0x0] =	sbarrier.arrive $0xFFFF  }
0x67: {  	p0 =	sne.s32 s1, $0x0;
	_ =	strace $0x9000004A  }
0x68: {  	s0 =	sadd.s32 @!p0 $0x100000, s0;
	[bflag:$0x2] =	sbarrier.arrive $0xFFFF  }
0x69: {  	[sflag:s0] =	ssyncadd.tile.s32 @!p0 $0x1;
	_ =	shalt  }
.Lfunc_end2:
_tile_overlayer_lowered:
.L_overlay_start_2:
0x6a: {  	(tag) =	ssettag $0x2  }
0x6b: {  	s0 =	rddreg [dreg:$0x0];
	s2 =	stileid.u32  }
0x6c: {  	s1 =	rddreg [dreg:$0x1];
	p0 =	sne.s32 s2, $0x0  }
0x6d: {  	s3 =	rddreg [dreg:$0x2];
	[bflag:$0x3] =	sbarrier.arrive $0xFFFF;
	s2 =	simm.s32 @!p0 $0x1C03  }
0x6e: {  	[timem:s3], [sflag:s2] =	dma.local @!p0 [hbm:s0], s1  }
0x6f: {  	s0 =	simm.s32 @!p0 $0x3  }
0x70: {  	_ =	swait.ge @!p0 [sflag:s0], s1  }
0x71: {  	s1 =	ssub.s32 @!p0 $0x0, s1;
	[sflag:s0] =	ssyncset.done @!p0 $0x0  }
0x72: {  	[sflag:s0] =	ssyncadd.s32 @!p0 s1  }
0x73: {  	[bflag:$0x3] =	sbarrier.arrive $0xFFFF  }
0x74: {  	_ =	shalt  }

</sc_bundles>
